<compile_context>
chip_gen: v7x
topology: tpu7x:2x2x1
jax: 0.10.2.dev20260603
libtpu: 0.0.44.dev20260713+nightly
codegen_flags: <defaults>
</compile_context>

<pallas_src>
import jax
import jax.numpy as jnp
from jax.experimental import pallas as pl
from jax.experimental.pallas import tpu as pltpu
from jax.experimental.pallas import tpu_sc as plsc

NUM_EMBEDDINGS = 8192
EMBEDDING_DIM = 256
COMMITMENT_COST = 0.25

_TR = 1024
_TC = 2048


_WIN_TILES = 2048 // _TC


def _dist_argmin_body(z_ref, w_ref, z2_ref, w2_ref, idx_ref,
                      win_v, win_i, acc_v, acc_i):
    r = pl.program_id(0)
    c = pl.program_id(1)
    n_r = pl.num_programs(0)
    n_c = pl.num_programs(1)

    z_blk = z_ref[...]
    w_blk = w_ref[...]

    z2 = z2_ref[0, 0, :]
    w2 = w2_ref[0, :, :]
    m = jax.lax.dot_general(w_blk, z_blk,
                            (((1,), (1,)), ((), ())),
                            preferred_element_type=jnp.float32)
    d = (w2 + z2[None, :]) - 2.0 * m

    col = jax.lax.broadcasted_iota(jnp.int32, d.shape, 0) + c * _TC
    inf = jnp.inf

    def lexmin(dm):
        v = jnp.min(dm, axis=0)
        i = jnp.min(jnp.where(dm == v[None, :], col, jnp.int32(2**31 - 1)),
                    axis=0).astype(jnp.int32)
        return v, i

    def merge_win(v, i):
        take = v < win_v[...]
        win_i[...] = jnp.where(take, i, win_i[...])
        win_v[...] = jnp.where(take, v, win_v[...])

    def close_window():
        take = win_v[...] < acc_v[...]
        acc_i[...] = jnp.where(take, win_i[...], acc_i[...])
        av = jnp.where(take, win_v[...], acc_v[...])
        acc_v[...] = av.astype(jnp.bfloat16).astype(jnp.float32)

    @pl.when(c == 0)
    def _():
        acc_v[...] = jnp.full((_TR,), inf, jnp.float32)
        acc_i[...] = jnp.zeros((_TR,), jnp.int32)
        if _WIN_TILES > 1:
            win_v[...] = jnp.full((_TR,), inf, jnp.float32)
            win_i[...] = jnp.zeros((_TR,), jnp.int32)

    v, i = lexmin(d)

    if _WIN_TILES == 1:
        take = v < acc_v[...]
        acc_i[...] = jnp.where(take, i, acc_i[...])
        av = jnp.where(take, v, acc_v[...])
        acc_v[...] = av.astype(jnp.bfloat16).astype(jnp.float32)
    else:
        merge_win(v, i)

        @pl.when((c + 1) % _WIN_TILES == 0)
        def _():
            close_window()
            win_v[...] = jnp.full((_TR,), inf, jnp.float32)
            win_i[...] = jnp.zeros((_TR,), jnp.int32)

    @pl.when(c == n_c - 1)
    def _():
        idx_ref[0, 0, :] = acc_i[...]


def _dist_argmin(z_flat, W, z2, w2):
    M, D = z_flat.shape
    N = W.shape[0]
    n_r = M // _TR
    n_c = N // _TC
    z2r = z2.reshape(n_r, 1, _TR)
    w2r = w2.reshape(n_c, _TC, 1)
    idx3 = pl.pallas_call(
        _dist_argmin_body,
        grid=(n_r, n_c),
        in_specs=[
            pl.BlockSpec((_TR, D), lambda r, c: (r, 0)),
            pl.BlockSpec((_TC, D), lambda r, c: (c, 0)),
            pl.BlockSpec((1, 1, _TR), lambda r, c: (r, 0, 0)),
            pl.BlockSpec((1, _TC, 1), lambda r, c: (c, 0, 0)),
        ],
        out_specs=pl.BlockSpec((1, 1, _TR), lambda r, c: (r, 0, 0)),
        out_shape=jax.ShapeDtypeStruct((n_r, 1, _TR), jnp.int32),
        scratch_shapes=[
            pltpu.VMEM((_TR,), jnp.float32),
            pltpu.VMEM((_TR,), jnp.int32),
            pltpu.VMEM((_TR,), jnp.float32),
            pltpu.VMEM((_TR,), jnp.int32),
        ],
        compiler_params=pltpu.CompilerParams(
            dimension_semantics=("parallel", "arbitrary")),
    )(z_flat, W, z2r, w2r)
    return idx3


def _hist_body(idx_ref, counts_ref, ppl_ref):
    r = pl.program_id(0)
    n_r = pl.num_programs(0)
    bi = idx_ref[0, 0, :]
    iota = jax.lax.broadcasted_iota(jnp.int32, (8, NUM_EMBEDDINGS), 1)
    acc = jnp.zeros((8, NUM_EMBEDDINGS), jnp.float32)
    for k in range(_TR // 8):
        sub = bi[k * 8:(k + 1) * 8]
        acc = acc + (sub[:, None] == iota).astype(jnp.float32)
    tile_counts = jnp.sum(acc, axis=0)[None, :]

    @pl.when(r == 0)
    def _():
        counts_ref[...] = tile_counts

    @pl.when(r != 0)
    def _():
        counts_ref[...] = counts_ref[...] + tile_counts

    @pl.when(r == n_r - 1)
    def _():
        p = counts_ref[...] * (1.0 / (n_r * _TR))
        ent = jnp.sum(p * jnp.log(p + 1e-10))
        ppl_ref[...] = jnp.exp(-ent).reshape(1, 1)


def _histogram(idx3):
    n_r = idx3.shape[0]
    N = NUM_EMBEDDINGS
    counts, ppl = pl.pallas_call(
        _hist_body,
        grid=(n_r,),
        in_specs=[pl.BlockSpec((1, 1, _TR), lambda r: (r, 0, 0))],
        out_specs=[
            pl.BlockSpec((1, N), lambda r: (0, 0)),
            pl.BlockSpec((1, 1), lambda r: (0, 0)),
        ],
        out_shape=[
            jax.ShapeDtypeStruct((1, N), jnp.float32),
            jax.ShapeDtypeStruct((1, 1), jnp.float32),
        ],
    )(idx3)
    return ppl.reshape(())


_GW = 128


def _sc_gather(W, idx):
    M = idx.shape[0]
    D = W.shape[1]
    idx2 = idx.reshape(1, M)
    mesh = plsc.VectorSubcoreMesh(core_axis_name="core",
                                  subcore_axis_name="subcore")

    @pl.kernel(out_type=jax.ShapeDtypeStruct((M, D), jnp.float32),
               mesh=mesh)
    def gather_kernel(w_hbm, i_hbm, o_hbm):
        def body(i_vmem, o_vmem):
            pltpu.sync_copy(w_hbm.at[i_vmem.at[0]], o_vmem)

        pltpu.emit_pipeline(
            body,
            grid=(M // _GW,),
            in_specs=[pl.BlockSpec((1, _GW), index_map=lambda i: (0, i))],
            out_specs=[pl.BlockSpec((_GW, D),
                                    index_map=lambda i: (i, 0))],
            core_axis_name=("core", "subcore"),
            dimension_semantics=(pltpu.PARALLEL,),
        )(i_hbm, o_hbm)

    return gather_kernel(W, idx2)


_TE = 1024


def _epilogue_body(z_ref, q_ref, qst_ref, loss_ref, acc_ref):
    r = pl.program_id(0)
    n_r = pl.num_programs(0)
    z_blk = z_ref[...]
    q_blk = q_ref[...]
    diff = q_blk - z_blk
    qst_ref[...] = z_blk + diff
    ssum = jnp.sum(diff * diff)

    @pl.when(r == 0)
    def _():
        acc_ref[0, 0] = ssum

    @pl.when(r != 0)
    def _():
        acc_ref[0, 0] = acc_ref[0, 0] + ssum

    @pl.when(r == n_r - 1)
    def _():
        total = acc_ref[0, 0]
        mean = total * (1.0 / (n_r * _TE * EMBEDDING_DIM))
        loss_ref[...] = (mean + COMMITMENT_COST * mean).reshape(1, 1)


def _epilogue(z_flat, q):
    M, D = z_flat.shape
    n_r = M // _TE
    qst, loss = pl.pallas_call(
        _epilogue_body,
        grid=(n_r,),
        in_specs=[
            pl.BlockSpec((_TE, D), lambda r: (r, 0)),
            pl.BlockSpec((_TE, D), lambda r: (r, 0)),
        ],
        out_specs=[
            pl.BlockSpec((_TE, D), lambda r: (r, 0)),
            pl.BlockSpec((1, 1), lambda r: (0, 0)),
        ],
        out_shape=[
            jax.ShapeDtypeStruct((M, D), jnp.float32),
            jax.ShapeDtypeStruct((1, 1), jnp.float32),
        ],
        scratch_shapes=[pltpu.SMEM((1, 1), jnp.float32)],
    )(z_flat, q)
    return qst, loss.reshape(())


def kernel(z, W):
    B, S, D = z.shape
    z_flat = z.reshape(-1, D)
    z2 = jnp.sum(z ** 2, axis=2).reshape(-1)
    w2 = jnp.sum(W ** 2, axis=1)
    idx3 = _dist_argmin(z_flat, W, z2, w2)
    idx = idx3.reshape(-1)
    perplexity = _histogram(idx3)
    q = _sc_gather(W, idx)
    qst, loss = _epilogue(z_flat, q)
    return (qst.reshape(z.shape), loss, perplexity,
            idx.reshape(B, S))

# --- scband reference (transcript-rebuilt; emitter-appended) ---
"""Pipeline reference for scband-vector-quantizer-6227702580023 (READ-ONLY COPY).

The authoritative reference and input builder live on the scoring server;
editing this copy changes nothing except your own understanding.
"""

import jax, jax.numpy as jnp
import numpy as np

NUM_EMBEDDINGS = 8192
EMBEDDING_DIM = 256
COMMITMENT_COST = 0.25


def setup_inputs(seed: int = 0) -> dict:
    key = jax.random.key(seed)
    k1, k2 = jax.random.split(key)
    z = jax.random.normal(k1, (8, 1024, EMBEDDING_DIM), dtype=jnp.float32)
    W = jax.random.uniform(k2, (NUM_EMBEDDINGS, EMBEDDING_DIM), dtype=jnp.float32,
                           minval=-1.0 / NUM_EMBEDDINGS, maxval=1.0 / NUM_EMBEDDINGS)
    return {"z": z, "W": W}


def reference(z, W):
    B, S, D = z.shape
    z_flat = z.reshape(-1, D)
    distances = (jnp.sum(z_flat ** 2, axis=1, keepdims=True)
                 + jnp.sum(W ** 2, axis=1)
                 - 2.0 * jnp.matmul(z_flat, W.T))
    encoding_indices = jnp.argmin(distances, axis=1)
    quantized = jnp.take(W, encoding_indices, axis=0).reshape(z.shape)
    e_latent_loss = jnp.mean((jax.lax.stop_gradient(quantized) - z) ** 2)
    q_latent_loss = jnp.mean((quantized - jax.lax.stop_gradient(z)) ** 2)
    loss = q_latent_loss + COMMITMENT_COST * e_latent_loss
    quantized_st = z + jax.lax.stop_gradient(quantized - z)
    encodings = jax.nn.one_hot(encoding_indices, NUM_EMBEDDINGS, dtype=jnp.float32)
    avg_probs = jnp.mean(encodings, axis=0)
    perplexity = jnp.exp(-jnp.sum(avg_probs * jnp.log(avg_probs + 1e-10)))
    return (quantized_st, loss, perplexity, encoding_indices.reshape(B, S))

if __name__ == "__main__":
    import jax
    _d = setup_inputs()
    print(jax.jit(kernel)(*tuple(_d.values())))

</pallas_src>

<mosaic_0001>
#map = affine_map<(d0, d1) -> (0, 0)>
module attributes {stable_mosaic.version = 14 : i64} {
  func.func @gather_kernel(%arg0: i32, %arg1: i32, %arg2: memref<8192x256xf32, #tpu.memory_space<hbm>>, %arg3: memref<1x8192xi32, #tpu.memory_space<hbm>>, %arg4: memref<8192x256xf32, #tpu.memory_space<hbm>>) attributes {dimension_semantics = [#tpu.dimension_semantics<core_parallel>, #tpu.dimension_semantics<subcore_parallel>], iteration_bounds = array<i64: 2, 16>, scalar_prefetch = 0 : i64, scratch_operands = 0 : i64, tpu.core_type = #tpu.core_type<sc_vector_subcore>, window_params = [{transform_indices = #map}, {transform_indices = #map}, {transform_indices = #map}]} {
    %mul3A = arith.constant 1 : i32
    %mul3A_0 = arith.muli %arg1, %mul3A : i32
    %add3A = arith.constant 0 : i32
    %add3A_1 = arith.addi %add3A, %mul3A_0 : i32
    %mul3A_2 = arith.constant 16 : i32
    %mul3A_3 = arith.muli %arg0, %mul3A_2 : i32
    %add3A_4 = arith.addi %add3A_1, %mul3A_3 : i32
    %mul3A_5 = arith.constant 2 : i32
    %mul3A_6 = arith.muli %add3A_4, %mul3A_5 : i32
    "tpu.region"() ({
      %run_scoped3A = memref.alloca() : memref<2x1x128xi32, #tpu.memory_space<vmem>>
      %run_scoped3A_7 = tpu.sem_alloc : memref<2x!tpu.dma_semaphore, #tpu.memory_space<semaphore_mem>>
      %run_scoped3A_8 = memref.alloca() : memref<2x128x256xf32, #tpu.memory_space<vmem>>
      %run_scoped3A_9 = tpu.sem_alloc : memref<2x!tpu.dma_semaphore, #tpu.memory_space<semaphore_mem>>
      %add3A_10 = arith.constant 0 : i32
      %add3A_11 = arith.addi %add3A_10, %mul3A_6 : i32
      %select_n3A = arith.constant true
      %select_n3A_12 = arith.constant 0 : i32
      %select_n3A_13 = arith.constant -1 : i32
      %select_n3A_14 = arith.select %select_n3A, %select_n3A_13, %select_n3A_12 : i32
      %eq3A = arith.constant -1 : i32
      %eq3A_15 = arith.cmpi eq, %select_n3A_14, %eq3A : i32
      %select_n3A_16 = arith.constant 1 : i32
      %select_n3A_17 = arith.select %eq3A_15, %select_n3A_16, %select_n3A_14 : i32
      %add3A_18 = arith.addi %select_n3A_17, %mul3A_6 : i32
      %select_n3A_19 = arith.constant true
      %select_n3A_20 = arith.constant 0 : i32
      %select_n3A_21 = arith.constant 1 : i32
      %select_n3A_22 = arith.select %select_n3A_19, %select_n3A_21, %select_n3A_20 : i32
      %eq3A_23 = arith.constant 2 : i32
      %eq3A_24 = arith.cmpi eq, %select_n3A_22, %eq3A_23 : i32
      %select_n3A_25 = arith.constant 0 : i32
      %select_n3A_26 = arith.select %eq3A_24, %select_n3A_25, %select_n3A_22 : i32
      %add3A_27 = arith.addi %select_n3A_26, %mul3A_6 : i32
      %add3A_28 = arith.constant 1 : i32
      %add3A_29 = arith.addi %select_n3A_26, %add3A_28 : i32
      %select_n3A_30 = arith.constant true
      %select_n3A_31 = arith.select %select_n3A_30, %add3A_29, %select_n3A_26 : i32
      %eq3A_32 = arith.constant 2 : i32
      %eq3A_33 = arith.cmpi eq, %select_n3A_31, %eq3A_32 : i32
      %select_n3A_34 = arith.constant 0 : i32
      %select_n3A_35 = arith.select %eq3A_33, %select_n3A_34, %select_n3A_31 : i32
      %add3A_36 = arith.addi %select_n3A_35, %mul3A_6 : i32
      "tpu.trace_start"() <{level = 10 : i32, message = "ep_initialize_0"}> : () -> ()
      %rem3A = arith.constant 0 : i32
      %rem3A_37 = arith.constant 2 : i32
      %rem3A_38 = arith.remui %rem3A, %rem3A_37 : i32
      %mul3A_39 = arith.constant 128 : i32
      %mul3A_40 = arith.muli %mul3A_39, %add3A_11 : i32
      %dma_start3A = arith.constant 0 : i32
      %dma_start3A_41 = arith.constant 0 : i32
      %dma_start3A_42 = tpu.memref_slice %run_scoped3A[%rem3A_38, %dma_start3A, %dma_start3A_41] : memref<2x1x128xi32, #tpu.memory_space<vmem>> -> memref<1x1x128xi32, #tpu.memory_space<vmem>>
      %dma_start3A_43 = tpu.memref_squeeze %dma_start3A_42 : memref<1x1x128xi32, #tpu.memory_space<vmem>> -> memref<1x128xi32, #tpu.memory_space<vmem>>
      %dma_start3A_44 = arith.constant 0 : i32
      %dma_start3A_45 = tpu.memref_slice %arg3[%dma_start3A_44, %mul3A_40] : memref<1x8192xi32, #tpu.memory_space<hbm>> -> memref<1x128xi32, #tpu.memory_space<hbm>>
      %dma_start3A_46 = tpu.memref_slice %run_scoped3A_7[%rem3A_38] : memref<2x!tpu.dma_semaphore, #tpu.memory_space<semaphore_mem>> -> memref<1x!tpu.dma_semaphore, #tpu.memory_space<semaphore_mem>>
      %dma_start3A_47 = tpu.memref_squeeze %dma_start3A_46 : memref<1x!tpu.dma_semaphore, #tpu.memory_space<semaphore_mem>> -> memref<!tpu.dma_semaphore, #tpu.memory_space<semaphore_mem>>
      %dma_start3A_48 = arith.constant 0 : i32
      %dma_start3A_49 = arith.constant 0 : i32
      %dma_start3A_50 = tpu.memref_slice %run_scoped3A[%rem3A_38, %dma_start3A_48, %dma_start3A_49] : memref<2x1x128xi32, #tpu.memory_space<vmem>> -> memref<1x1x128xi32, #tpu.memory_space<vmem>>
      %dma_start3A_51 = tpu.memref_squeeze %dma_start3A_50 : memref<1x1x128xi32, #tpu.memory_space<vmem>> -> memref<1x128xi32, #tpu.memory_space<vmem>>
      %dma_start3A_52 = arith.constant 0 : i32
      %dma_start3A_53 = tpu.memref_slice %arg3[%dma_start3A_52, %mul3A_40] : memref<1x8192xi32, #tpu.memory_space<hbm>> -> memref<1x128xi32, #tpu.memory_space<hbm>>
      tpu.enqueue_dma source(%dma_start3A_53 : memref<1x128xi32, #tpu.memory_space<hbm>>) target(%dma_start3A_51 : memref<1x128xi32, #tpu.memory_space<vmem>>) target_semaphore(%dma_start3A_47 : memref<!tpu.dma_semaphore, #tpu.memory_space<semaphore_mem>>)
      %add3A_54 = arith.constant 0 : i32
      %add3A_55 = arith.constant 1 : i32
      %add3A_56 = arith.addi %add3A_54, %add3A_55 : i32
      %select_n3A_57 = arith.constant true
      %select_n3A_58 = arith.constant 0 : i32
      %select_n3A_59 = arith.select %select_n3A_57, %add3A_56, %select_n3A_58 : i32
      "tpu.trace_stop"() : () -> ()
      %scan3A = arith.constant 0 : i32
      %scan3A_60 = arith.constant 0 : i32
      %scan3A_61 = arith.constant 0 : i32
      %scan3A_62 = arith.constant 0 : i32
      %scan3A_63 = arith.constant 0 : i32
      %scan3A_64 = arith.constant 2 : i32
      %scan3A_65 = arith.addi %scan3A_63, %scan3A_64 : i32
      %scan3A_66 = arith.constant 1 : i32
      %scan3A_67:5 = scf.for %scan3A_121 = %scan3A_63 to %scan3A_65 step %scan3A_66 iter_args(%scan3A_122 = %select_n3A_59, %scan3A_123 = %scan3A, %scan3A_124 = %scan3A_60, %scan3A_125 = %scan3A_61, %scan3A_126 = %scan3A_62) -> (i32, i32, i32, i32, i32)  : i32 {
        %eq3A_127 = arith.constant 0 : i32
        %eq3A_128 = arith.cmpi eq, %scan3A_121, %eq3A_127 : i32
        %eq3A_129 = arith.constant 1 : i32
        %eq3A_130 = arith.cmpi eq, %scan3A_121, %eq3A_129 : i32
        %add3A_131 = arith.addi %scan3A_126, %mul3A_6 : i32
        %sub3A_132 = arith.constant 1 : i32
        %sub3A_133 = arith.subi %scan3A_126, %sub3A_132 : i32
        %select_n3A_134 = arith.constant true
        %select_n3A_135 = arith.select %select_n3A_134, %sub3A_133, %scan3A_126 : i32
        %eq3A_136 = arith.constant -1 : i32
        %eq3A_137 = arith.cmpi eq, %select_n3A_135, %eq3A_136 : i32
        %select_n3A_138 = arith.constant 1 : i32
        %select_n3A_139 = arith.select %eq3A_137, %select_n3A_138, %select_n3A_135 : i32
        %add3A_140 = arith.addi %select_n3A_139, %mul3A_6 : i32
        %add3A_141 = arith.constant 1 : i32
        %add3A_142 = arith.addi %scan3A_126, %add3A_141 : i32
        %select_n3A_143 = arith.constant true
        %select_n3A_144 = arith.select %select_n3A_143, %add3A_142, %scan3A_126 : i32
        %eq3A_145 = arith.constant 2 : i32
        %eq3A_146 = arith.cmpi eq, %select_n3A_144, %eq3A_145 : i32
        %select_n3A_147 = arith.constant 0 : i32
        %select_n3A_148 = arith.select %eq3A_146, %select_n3A_147, %select_n3A_144 : i32
        %add3A_149 = arith.addi %select_n3A_148, %mul3A_6 : i32
        %add3A_150 = arith.constant 1 : i32
        %add3A_151 = arith.addi %select_n3A_148, %add3A_150 : i32
        %select_n3A_152 = arith.constant true
        %select_n3A_153 = arith.select %select_n3A_152, %add3A_151, %select_n3A_148 : i32
        %eq3A_154 = arith.constant 2 : i32
        %eq3A_155 = arith.cmpi eq, %select_n3A_153, %eq3A_154 : i32
        %select_n3A_156 = arith.constant 0 : i32
        %select_n3A_157 = arith.select %eq3A_155, %select_n3A_156, %select_n3A_153 : i32
        %add3A_158 = arith.addi %select_n3A_157, %mul3A_6 : i32
        %ne3A = arith.cmpi ne, %add3A_131, %add3A_149 : i32
        %or3A = arith.constant false
        %or3A_159 = arith.ori %or3A, %ne3A : i1
        %ge3A = arith.constant 1 : i32
        %ge3A_160 = arith.cmpi sge, %scan3A_121, %ge3A : i32
        %not3A = arith.constant true
        %not3A_161 = arith.xori %ge3A_160, %not3A : i1
        %and3A = arith.andi %or3A_159, %not3A_161 : i1
        %convert_element_type3A = arith.extui %and3A : i1 to i32
        %cond3A = arith.constant 0 : i32
        %cond3A_162 = arith.cmpi ne, %convert_element_type3A, %cond3A : i32
        scf.if %cond3A_162 {
          "tpu.trace_start"() <{level = 10 : i32, message = "ep_copy_in"}> : () -> ()
          %rem3A_264 = arith.constant 2 : i32
          %rem3A_265 = arith.remui %scan3A_122, %rem3A_264 : i32
          %mul3A_266 = arith.constant 128 : i32
          %mul3A_267 = arith.muli %mul3A_266, %add3A_149 : i32
          %dma_start3A_268 = arith.constant 0 : i32
          %dma_start3A_269 = arith.constant 0 : i32
          %dma_start3A_270 = tpu.memref_slice %run_scoped3A[%rem3A_265, %dma_start3A_268, %dma_start3A_269] : memref<2x1x128xi32, #tpu.memory_space<vmem>> -> memref<1x1x128xi32, #tpu.memory_space<vmem>>
          %dma_start3A_271 = tpu.memref_squeeze %dma_start3A_270 : memref<1x1x128xi32, #tpu.memory_space<vmem>> -> memref<1x128xi32, #tpu.memory_space<vmem>>
          %dma_start3A_272 = arith.constant 0 : i32
          %dma_start3A_273 = tpu.memref_slice %arg3[%dma_start3A_272, %mul3A_267] : memref<1x8192xi32, #tpu.memory_space<hbm>> -> memref<1x128xi32, #tpu.memory_space<hbm>>
          %dma_start3A_274 = tpu.memref_slice %run_scoped3A_7[%rem3A_265] : memref<2x!tpu.dma_semaphore, #tpu.memory_space<semaphore_mem>> -> memref<1x!tpu.dma_semaphore, #tpu.memory_space<semaphore_mem>>
          %dma_start3A_275 = tpu.memref_squeeze %dma_start3A_274 : memref<1x!tpu.dma_semaphore, #tpu.memory_space<semaphore_mem>> -> memref<!tpu.dma_semaphore, #tpu.memory_space<semaphore_mem>>
          %dma_start3A_276 = arith.constant 0 : i32
          %dma_start3A_277 = arith.constant 0 : i32
          %dma_start3A_278 = tpu.memref_slice %run_scoped3A[%rem3A_265, %dma_start3A_276, %dma_start3A_277] : memref<2x1x128xi32, #tpu.memory_space<vmem>> -> memref<1x1x128xi32, #tpu.memory_space<vmem>>
          %dma_start3A_279 = tpu.memref_squeeze %dma_start3A_278 : memref<1x1x128xi32, #tpu.memory_space<vmem>> -> memref<1x128xi32, #tpu.memory_space<vmem>>
          %dma_start3A_280 = arith.constant 0 : i32
          %dma_start3A_281 = tpu.memref_slice %arg3[%dma_start3A_280, %mul3A_267] : memref<1x8192xi32, #tpu.memory_space<hbm>> -> memref<1x128xi32, #tpu.memory_space<hbm>>
          tpu.enqueue_dma source(%dma_start3A_281 : memref<1x128xi32, #tpu.memory_space<hbm>>) target(%dma_start3A_279 : memref<1x128xi32, #tpu.memory_space<vmem>>) target_semaphore(%dma_start3A_275 : memref<!tpu.dma_semaphore, #tpu.memory_space<semaphore_mem>>)
          "tpu.trace_stop"() : () -> ()
        } else {
        }
        %and3A_163 = arith.constant true
        %and3A_164 = arith.andi %and3A, %and3A_163 : i1
        %add3A_165 = arith.constant 1 : i32
        %add3A_166 = arith.addi %scan3A_122, %add3A_165 : i32
        %select_n3A_167 = arith.select %and3A_164, %add3A_166, %scan3A_122 : i32
        %ne3A_168 = arith.cmpi ne, %add3A_131, %add3A_149 : i32
        %or3A_169 = arith.constant false
        %or3A_170 = arith.ori %or3A_169, %ne3A_168 : i1
        %or3A_171 = arith.constant false
        %or3A_172 = arith.ori %or3A_170, %or3A_171 : i1
        %ge3A_173 = arith.constant 1 : i32
        %ge3A_174 = arith.cmpi sge, %scan3A_121, %ge3A_173 : i32
        %not3A_175 = arith.constant true
        %not3A_176 = arith.xori %ge3A_174, %not3A_175 : i1
        %and3A_177 = arith.andi %or3A_172, %not3A_176 : i1
        %ne3A_178 = arith.cmpi ne, %add3A_131, %add3A_140 : i32
        %or3A_179 = arith.constant false
        %or3A_180 = arith.ori %or3A_179, %ne3A_178 : i1
        %or3A_181 = arith.ori %or3A_180, %eq3A_128 : i1
        %convert_element_type3A_182 = arith.extui %or3A_181 : i1 to i32
        %cond3A_183 = arith.constant 0 : i32
        %cond3A_184 = arith.cmpi ne, %convert_element_type3A_182, %cond3A_183 : i32
        scf.if %cond3A_184 {
          "tpu.trace_start"() <{level = 10 : i32, message = "ep_wait_in"}> : () -> ()
          %mul3A_264 = arith.constant 128 : i32
          %mul3A_265 = arith.muli %mul3A_264, %add3A_131 : i32
          %rem3A_266 = arith.constant 2 : i32
          %rem3A_267 = arith.remui %scan3A_123, %rem3A_266 : i32
          %dma_wait3A_268 = arith.constant 0 : i32
          %dma_wait3A_269 = arith.constant 0 : i32
          %dma_wait3A_270 = tpu.memref_slice %run_scoped3A[%rem3A_267, %dma_wait3A_268, %dma_wait3A_269] : memref<2x1x128xi32, #tpu.memory_space<vmem>> -> memref<1x1x128xi32, #tpu.memory_space<vmem>>
          %dma_wait3A_271 = tpu.memref_squeeze %dma_wait3A_270 : memref<1x1x128xi32, #tpu.memory_space<vmem>> -> memref<1x128xi32, #tpu.memory_space<vmem>>
          %dma_wait3A_272 = arith.constant 0 : i32
          %dma_wait3A_273 = tpu.memref_slice %arg3[%dma_wait3A_272, %mul3A_265] : memref<1x8192xi32, #tpu.memory_space<hbm>> -> memref<1x128xi32, #tpu.memory_space<hbm>>
          %dma_wait3A_274 = tpu.memref_slice %run_scoped3A_7[%rem3A_267] : memref<2x!tpu.dma_semaphore, #tpu.memory_space<semaphore_mem>> -> memref<1x!tpu.dma_semaphore, #tpu.memory_space<semaphore_mem>>
          %dma_wait3A_275 = tpu.memref_squeeze %dma_wait3A_274 : memref<1x!tpu.dma_semaphore, #tpu.memory_space<semaphore_mem>> -> memref<!tpu.dma_semaphore, #tpu.memory_space<semaphore_mem>>
          %dma_wait3A_276 = arith.constant 0 : i32
          %dma_wait3A_277 = arith.constant 0 : i32
          %dma_wait3A_278 = tpu.memref_slice %run_scoped3A[%rem3A_267, %dma_wait3A_276, %dma_wait3A_277] : memref<2x1x128xi32, #tpu.memory_space<vmem>> -> memref<1x1x128xi32, #tpu.memory_space<vmem>>
          %dma_wait3A_279 = tpu.memref_squeeze %dma_wait3A_278 : memref<1x1x128xi32, #tpu.memory_space<vmem>> -> memref<1x128xi32, #tpu.memory_space<vmem>>
          %dma_wait3A_280 = arith.constant 0 : i32
          %dma_wait3A_281 = tpu.memref_slice %arg3[%dma_wait3A_280, %mul3A_265] : memref<1x8192xi32, #tpu.memory_space<hbm>> -> memref<1x128xi32, #tpu.memory_space<hbm>>
          tpu.wait_dma2 semaphore(%dma_wait3A_275 : memref<!tpu.dma_semaphore, #tpu.memory_space<semaphore_mem>>) src(%dma_wait3A_281 : memref<1x128xi32, #tpu.memory_space<hbm>>) dst(%dma_wait3A_279 : memref<1x128xi32, #tpu.memory_space<vmem>>)
          "tpu.trace_stop"() : () -> ()
        } else {
        }
        %ne3A_185 = arith.cmpi ne, %add3A_131, %add3A_140 : i32
        %or3A_186 = arith.constant false
        %or3A_187 = arith.ori %or3A_186, %ne3A_185 : i1
        %or3A_188 = arith.constant false
        %or3A_189 = arith.ori %or3A_187, %or3A_188 : i1
        %or3A_190 = arith.ori %or3A_189, %eq3A_128 : i1
        %convert_element_type3A_191 = arith.extui %or3A_190 : i1 to i32
        %cond3A_192 = arith.constant 0 : i32
        %cond3A_193 = arith.cmpi ne, %convert_element_type3A_191, %cond3A_192 : i32
        scf.if %cond3A_193 {
        } else {
        }
        %rem3A_194 = arith.constant 2 : i32
        %rem3A_195 = arith.remui %scan3A_123, %rem3A_194 : i32
        %rem3A_196 = arith.constant 2 : i32
        %rem3A_197 = arith.remui %scan3A_124, %rem3A_196 : i32
        %run_scoped3A_198 = arith.constant 0 : i32
        "tpu.trace_start"() <{level = 10 : i32, message = "ep_run_kernel"}> : () -> ()
        "tpu.region"() ({
          %run_scoped3A_264 = tpu.sem_alloc : memref<!tpu.dma_semaphore, #tpu.memory_space<semaphore_mem>>
          %dma_start3A_265 = arith.constant 0 : i32
          %dma_start3A_266 = arith.constant 0 : i32
          %dma_start3A_267 = tpu.memref_slice %run_scoped3A_8[%rem3A_197, %dma_start3A_265, %dma_start3A_266] : memref<2x128x256xf32, #tpu.memory_space<vmem>> -> memref<1x128x256xf32, #tpu.memory_space<vmem>>
          %dma_start3A_268 = tpu.memref_squeeze %dma_start3A_267 : memref<1x128x256xf32, #tpu.memory_space<vmem>> -> memref<128x256xf32, #tpu.memory_space<vmem>>
          %dma_start3A_269 = arith.constant 0 : i32
          %dma_start3A_270 = arith.constant 0 : i32
          %dma_start3A_271 = tpu.memref_slice %run_scoped3A[%rem3A_195, %dma_start3A_269, %dma_start3A_270] : memref<2x1x128xi32, #tpu.memory_space<vmem>> -> memref<1x1x128xi32, #tpu.memory_space<vmem>>
          %dma_start3A_272 = tpu.memref_squeeze %dma_start3A_271 : memref<1x1x128xi32, #tpu.memory_space<vmem>> -> memref<1x128xi32, #tpu.memory_space<vmem>>
          %dma_start3A_273 = arith.constant 0 : i32
          %dma_start3A_274 = tpu.memref_slice %dma_start3A_272[%run_scoped3A_198, %dma_start3A_273] : memref<1x128xi32, #tpu.memory_space<vmem>> -> memref<1x128xi32, #tpu.memory_space<vmem>>
          %dma_start3A_275 = tpu.memref_squeeze %dma_start3A_274 : memref<1x128xi32, #tpu.memory_space<vmem>> -> memref<128xi32, #tpu.memory_space<vmem>>
          %dma_start3A_276 = arith.constant 0 : i32
          %dma_start3A_277 = arith.constant 0 : i32
          %dma_start3A_278 = tpu.memref_slice %arg2[%dma_start3A_276, %dma_start3A_277] : memref<8192x256xf32, #tpu.memory_space<hbm>> -> memref<8192x256xf32, #tpu.memory_space<hbm>>
          tpu.enqueue_indirect_dma source(%dma_start3A_278 : memref<8192x256xf32, #tpu.memory_space<hbm>>) target(%dma_start3A_268 : memref<128x256xf32, #tpu.memory_space<vmem>>) offsets(%dma_start3A_275 : memref<128xi32, #tpu.memory_space<vmem>>) semaphore(%run_scoped3A_264 : memref<!tpu.dma_semaphore, #tpu.memory_space<semaphore_mem>>)
          %dma_wait3A_279 = arith.constant 0 : i32
          %dma_wait3A_280 = arith.constant 0 : i32
          %dma_wait3A_281 = tpu.memref_slice %run_scoped3A_8[%rem3A_197, %dma_wait3A_279, %dma_wait3A_280] : memref<2x128x256xf32, #tpu.memory_space<vmem>> -> memref<1x128x256xf32, #tpu.memory_space<vmem>>
          %dma_wait3A_282 = tpu.memref_squeeze %dma_wait3A_281 : memref<1x128x256xf32, #tpu.memory_space<vmem>> -> memref<128x256xf32, #tpu.memory_space<vmem>>
          %dma_wait3A_283 = arith.constant 0 : i32
          %dma_wait3A_284 = arith.constant 0 : i32
          %dma_wait3A_285 = tpu.memref_slice %run_scoped3A[%rem3A_195, %dma_wait3A_283, %dma_wait3A_284] : memref<2x1x128xi32, #tpu.memory_space<vmem>> -> memref<1x1x128xi32, #tpu.memory_space<vmem>>
          %dma_wait3A_286 = tpu.memref_squeeze %dma_wait3A_285 : memref<1x1x128xi32, #tpu.memory_space<vmem>> -> memref<1x128xi32, #tpu.memory_space<vmem>>
          %dma_wait3A_287 = arith.constant 0 : i32
          %dma_wait3A_288 = tpu.memref_slice %dma_wait3A_286[%run_scoped3A_198, %dma_wait3A_287] : memref<1x128xi32, #tpu.memory_space<vmem>> -> memref<1x128xi32, #tpu.memory_space<vmem>>
          %dma_wait3A_289 = tpu.memref_squeeze %dma_wait3A_288 : memref<1x128xi32, #tpu.memory_space<vmem>> -> memref<128xi32, #tpu.memory_space<vmem>>
          %dma_wait3A_290 = arith.constant 0 : i32
          %dma_wait3A_291 = arith.constant 0 : i32
          %dma_wait3A_292 = tpu.memref_slice %arg2[%dma_wait3A_290, %dma_wait3A_291] : memref<8192x256xf32, #tpu.memory_space<hbm>> -> memref<8192x256xf32, #tpu.memory_space<hbm>>
          tpu.wait_indirect_dma semaphore(%run_scoped3A_264 : memref<!tpu.dma_semaphore, #tpu.memory_space<semaphore_mem>>) src(%dma_wait3A_292 : memref<8192x256xf32, #tpu.memory_space<hbm>>) dst(%dma_wait3A_282 : memref<128x256xf32, #tpu.memory_space<vmem>>)
          tpu.yield
        }) : () -> ()
        "tpu.trace_stop"() : () -> ()
        %ne3A_199 = arith.cmpi ne, %add3A_131, %add3A_149 : i32
        %or3A_200 = arith.constant false
        %or3A_201 = arith.ori %or3A_200, %ne3A_199 : i1
        %or3A_202 = arith.ori %or3A_201, %eq3A_130 : i1
        %convert_element_type3A_203 = arith.extui %or3A_202 : i1 to i32
        %cond3A_204 = arith.constant 0 : i32
        %cond3A_205 = arith.cmpi ne, %convert_element_type3A_203, %cond3A_204 : i32
        scf.if %cond3A_205 {
        } else {
        }
        %and3A_206 = arith.constant false
        %and3A_207 = arith.andi %or3A_202, %and3A_206 : i1
        %ne3A_208 = arith.cmpi ne, %add3A_131, %add3A_149 : i32
        %or3A_209 = arith.constant false
        %or3A_210 = arith.ori %or3A_209, %ne3A_208 : i1
        %or3A_211 = arith.constant false
        %or3A_212 = arith.ori %or3A_210, %or3A_211 : i1
        %or3A_213 = arith.ori %or3A_212, %eq3A_130 : i1
        %convert_element_type3A_214 = arith.extui %or3A_213 : i1 to i32
        %cond3A_215 = arith.constant 0 : i32
        %cond3A_216 = arith.cmpi ne, %convert_element_type3A_214, %cond3A_215 : i32
        scf.if %cond3A_216 {
          "tpu.trace_start"() <{level = 10 : i32, message = "ep_copy_out"}> : () -> ()
          %rem3A_264 = arith.constant 2 : i32
          %rem3A_265 = arith.remui %scan3A_124, %rem3A_264 : i32
          %mul3A_266 = arith.constant 128 : i32
          %mul3A_267 = arith.muli %mul3A_266, %add3A_131 : i32
          %dma_start3A_268 = arith.constant 0 : i32
          %dma_start3A_269 = arith.constant 0 : i32
          %dma_start3A_270 = tpu.memref_slice %run_scoped3A_8[%rem3A_265, %dma_start3A_268, %dma_start3A_269] : memref<2x128x256xf32, #tpu.memory_space<vmem>> -> memref<1x128x256xf32, #tpu.memory_space<vmem>>
          %dma_start3A_271 = tpu.memref_squeeze %dma_start3A_270 : memref<1x128x256xf32, #tpu.memory_space<vmem>> -> memref<128x256xf32, #tpu.memory_space<vmem>>
          %dma_start3A_272 = arith.constant 0 : i32
          %dma_start3A_273 = tpu.memref_slice %arg4[%mul3A_267, %dma_start3A_272] : memref<8192x256xf32, #tpu.memory_space<hbm>> -> memref<128x256xf32, #tpu.memory_space<hbm>>
          %dma_start3A_274 = tpu.memref_slice %run_scoped3A_9[%rem3A_265] : memref<2x!tpu.dma_semaphore, #tpu.memory_space<semaphore_mem>> -> memref<1x!tpu.dma_semaphore, #tpu.memory_space<semaphore_mem>>
          %dma_start3A_275 = tpu.memref_squeeze %dma_start3A_274 : memref<1x!tpu.dma_semaphore, #tpu.memory_space<semaphore_mem>> -> memref<!tpu.dma_semaphore, #tpu.memory_space<semaphore_mem>>
          %dma_start3A_276 = arith.constant 0 : i32
          %dma_start3A_277 = tpu.memref_slice %arg4[%mul3A_267, %dma_start3A_276] : memref<8192x256xf32, #tpu.memory_space<hbm>> -> memref<128x256xf32, #tpu.memory_space<hbm>>
          %dma_start3A_278 = arith.constant 0 : i32
          %dma_start3A_279 = arith.constant 0 : i32
          %dma_start3A_280 = tpu.memref_slice %run_scoped3A_8[%rem3A_265, %dma_start3A_278, %dma_start3A_279] : memref<2x128x256xf32, #tpu.memory_space<vmem>> -> memref<1x128x256xf32, #tpu.memory_space<vmem>>
          %dma_start3A_281 = tpu.memref_squeeze %dma_start3A_280 : memref<1x128x256xf32, #tpu.memory_space<vmem>> -> memref<128x256xf32, #tpu.memory_space<vmem>>
          tpu.enqueue_dma source(%dma_start3A_281 : memref<128x256xf32, #tpu.memory_space<vmem>>) target(%dma_start3A_277 : memref<128x256xf32, #tpu.memory_space<hbm>>) target_semaphore(%dma_start3A_275 : memref<!tpu.dma_semaphore, #tpu.memory_space<semaphore_mem>>)
          "tpu.trace_stop"() : () -> ()
        } else {
        }
        %and3A_217 = arith.constant true
        %and3A_218 = arith.andi %or3A_213, %and3A_217 : i1
        %add3A_219 = arith.constant 1 : i32
        %add3A_220 = arith.addi %scan3A_124, %add3A_219 : i32
        %select_n3A_221 = arith.select %and3A_218, %add3A_220, %scan3A_124 : i32
        %ne3A_222 = arith.cmpi ne, %add3A_131, %add3A_140 : i32
        %or3A_223 = arith.constant false
        %or3A_224 = arith.ori %or3A_223, %ne3A_222 : i1
        %not3A_225 = arith.constant true
        %not3A_226 = arith.xori %eq3A_128, %not3A_225 : i1
        %and3A_227 = arith.andi %or3A_224, %not3A_226 : i1
        %convert_element_type3A_228 = arith.extui %and3A_227 : i1 to i32
        %cond3A_229 = arith.constant 0 : i32
        %cond3A_230 = arith.cmpi ne, %convert_element_type3A_228, %cond3A_229 : i32
        scf.if %cond3A_230 {
        } else {
        }
        %and3A_231 = arith.constant false
        %and3A_232 = arith.andi %and3A_227, %and3A_231 : i1
        %ne3A_233 = arith.cmpi ne, %add3A_131, %add3A_140 : i32
        %or3A_234 = arith.constant false
        %or3A_235 = arith.ori %or3A_234, %ne3A_233 : i1
        %or3A_236 = arith.constant false
        %or3A_237 = arith.ori %or3A_235, %or3A_236 : i1
        %not3A_238 = arith.constant true
        %not3A_239 = arith.xori %eq3A_128, %not3A_238 : i1
        %and3A_240 = arith.andi %or3A_237, %not3A_239 : i1
        %convert_element_type3A_241 = arith.extui %and3A_240 : i1 to i32
        %cond3A_242 = arith.constant 0 : i32
        %cond3A_243 = arith.cmpi ne, %convert_element_type3A_241, %cond3A_242 : i32
        scf.if %cond3A_243 {
          "tpu.trace_start"() <{level = 10 : i32, message = "ep_wait_out"}> : () -> ()
          %rem3A_264 = arith.constant 2 : i32
          %rem3A_265 = arith.remui %scan3A_125, %rem3A_264 : i32
          %mul3A_266 = arith.constant 128 : i32
          %mul3A_267 = arith.muli %mul3A_266, %add3A_140 : i32
          %dma_wait3A_268 = arith.constant 0 : i32
          %dma_wait3A_269 = arith.constant 0 : i32
          %dma_wait3A_270 = tpu.memref_slice %run_scoped3A_8[%rem3A_265, %dma_wait3A_268, %dma_wait3A_269] : memref<2x128x256xf32, #tpu.memory_space<vmem>> -> memref<1x128x256xf32, #tpu.memory_space<vmem>>
          %dma_wait3A_271 = tpu.memref_squeeze %dma_wait3A_270 : memref<1x128x256xf32, #tpu.memory_space<vmem>> -> memref<128x256xf32, #tpu.memory_space<vmem>>
          %dma_wait3A_272 = arith.constant 0 : i32
          %dma_wait3A_273 = tpu.memref_slice %arg4[%mul3A_267, %dma_wait3A_272] : memref<8192x256xf32, #tpu.memory_space<hbm>> -> memref<128x256xf32, #tpu.memory_space<hbm>>
          %dma_wait3A_274 = tpu.memref_slice %run_scoped3A_9[%rem3A_265] : memref<2x!tpu.dma_semaphore, #tpu.memory_space<semaphore_mem>> -> memref<1x!tpu.dma_semaphore, #tpu.memory_space<semaphore_mem>>
          %dma_wait3A_275 = tpu.memref_squeeze %dma_wait3A_274 : memref<1x!tpu.dma_semaphore, #tpu.memory_space<semaphore_mem>> -> memref<!tpu.dma_semaphore, #tpu.memory_space<semaphore_mem>>
          %dma_wait3A_276 = arith.constant 0 : i32
          %dma_wait3A_277 = tpu.memref_slice %arg4[%mul3A_267, %dma_wait3A_276] : memref<8192x256xf32, #tpu.memory_space<hbm>> -> memref<128x256xf32, #tpu.memory_space<hbm>>
          %dma_wait3A_278 = arith.constant 0 : i32
          %dma_wait3A_279 = arith.constant 0 : i32
          %dma_wait3A_280 = tpu.memref_slice %run_scoped3A_8[%rem3A_265, %dma_wait3A_278, %dma_wait3A_279] : memref<2x128x256xf32, #tpu.memory_space<vmem>> -> memref<1x128x256xf32, #tpu.memory_space<vmem>>
          %dma_wait3A_281 = tpu.memref_squeeze %dma_wait3A_280 : memref<1x128x256xf32, #tpu.memory_space<vmem>> -> memref<128x256xf32, #tpu.memory_space<vmem>>
          tpu.wait_dma2 semaphore(%dma_wait3A_275 : memref<!tpu.dma_semaphore, #tpu.memory_space<semaphore_mem>>) src(%dma_wait3A_281 : memref<128x256xf32, #tpu.memory_space<vmem>>) dst(%dma_wait3A_277 : memref<128x256xf32, #tpu.memory_space<hbm>>)
          "tpu.trace_stop"() : () -> ()
        } else {
        }
        %and3A_244 = arith.constant true
        %and3A_245 = arith.andi %and3A_240, %and3A_244 : i1
        %add3A_246 = arith.constant 1 : i32
        %add3A_247 = arith.addi %scan3A_125, %add3A_246 : i32
        %select_n3A_248 = arith.select %and3A_245, %add3A_247, %scan3A_125 : i32
        %ne3A_249 = arith.cmpi ne, %add3A_131, %add3A_149 : i32
        %or3A_250 = arith.constant false
        %or3A_251 = arith.ori %or3A_250, %ne3A_249 : i1
        %or3A_252 = arith.ori %or3A_251, %eq3A_130 : i1
        %add3A_253 = arith.constant 1 : i32
        %add3A_254 = arith.addi %scan3A_123, %add3A_253 : i32
        %select_n3A_255 = arith.select %or3A_252, %add3A_254, %scan3A_123 : i32
        %add3A_256 = arith.constant 1 : i32
        %add3A_257 = arith.addi %scan3A_126, %add3A_256 : i32
        %select_n3A_258 = arith.constant true
        %select_n3A_259 = arith.select %select_n3A_258, %add3A_257, %scan3A_126 : i32
        %eq3A_260 = arith.constant 2 : i32
        %eq3A_261 = arith.cmpi eq, %select_n3A_259, %eq3A_260 : i32
        %select_n3A_262 = arith.constant 0 : i32
        %select_n3A_263 = arith.select %eq3A_261, %select_n3A_262, %select_n3A_259 : i32
        scf.yield %select_n3A_167, %select_n3A_255, %select_n3A_221, %select_n3A_248, %select_n3A_263 : i32, i32, i32, i32, i32
      }
      %scan3A_68 = arith.constant 2 : i32
      %sub3A = arith.constant 1 : i32
      %sub3A_69 = arith.subi %scan3A_67#4, %sub3A : i32
      %select_n3A_70 = arith.constant true
      %select_n3A_71 = arith.select %select_n3A_70, %sub3A_69, %scan3A_67#4 : i32
      %eq3A_72 = arith.constant -1 : i32
      %eq3A_73 = arith.cmpi eq, %select_n3A_71, %eq3A_72 : i32
      %select_n3A_74 = arith.constant 1 : i32
      %select_n3A_75 = arith.select %eq3A_73, %select_n3A_74, %select_n3A_71 : i32
      %add3A_76 = arith.addi %select_n3A_75, %mul3A_6 : i32
      %sub3A_77 = arith.constant 1 : i32
      %sub3A_78 = arith.subi %select_n3A_75, %sub3A_77 : i32
      %select_n3A_79 = arith.constant true
      %select_n3A_80 = arith.select %select_n3A_79, %sub3A_78, %select_n3A_75 : i32
      %eq3A_81 = arith.constant -1 : i32
      %eq3A_82 = arith.cmpi eq, %select_n3A_80, %eq3A_81 : i32
      %select_n3A_83 = arith.constant 1 : i32
      %select_n3A_84 = arith.select %eq3A_82, %select_n3A_83, %select_n3A_80 : i32
      %add3A_85 = arith.addi %select_n3A_84, %mul3A_6 : i32
      %add3A_86 = arith.constant 1 : i32
      %add3A_87 = arith.addi %select_n3A_75, %add3A_86 : i32
      %select_n3A_88 = arith.constant true
      %select_n3A_89 = arith.select %select_n3A_88, %add3A_87, %select_n3A_75 : i32
      %eq3A_90 = arith.constant 2 : i32
      %eq3A_91 = arith.cmpi eq, %select_n3A_89, %eq3A_90 : i32
      %select_n3A_92 = arith.constant 0 : i32
      %select_n3A_93 = arith.select %eq3A_91, %select_n3A_92, %select_n3A_89 : i32
      %add3A_94 = arith.addi %select_n3A_93, %mul3A_6 : i32
      %add3A_95 = arith.constant 1 : i32
      %add3A_96 = arith.addi %select_n3A_93, %add3A_95 : i32
      %select_n3A_97 = arith.constant true
      %select_n3A_98 = arith.select %select_n3A_97, %add3A_96, %select_n3A_93 : i32
      %eq3A_99 = arith.constant 2 : i32
      %eq3A_100 = arith.cmpi eq, %select_n3A_98, %eq3A_99 : i32
      %select_n3A_101 = arith.constant 0 : i32
      %select_n3A_102 = arith.select %eq3A_100, %select_n3A_101, %select_n3A_98 : i32
      %add3A_103 = arith.addi %select_n3A_102, %mul3A_6 : i32
      "tpu.trace_start"() <{level = 10 : i32, message = "ep_finalize"}> : () -> ()
      %rem3A_104 = arith.constant 2 : i32
      %rem3A_105 = arith.remui %scan3A_67#3, %rem3A_104 : i32
      %mul3A_106 = arith.constant 128 : i32
      %mul3A_107 = arith.muli %mul3A_106, %add3A_76 : i32
      %dma_wait3A = arith.constant 0 : i32
      %dma_wait3A_108 = arith.constant 0 : i32
      %dma_wait3A_109 = tpu.memref_slice %run_scoped3A_8[%rem3A_105, %dma_wait3A, %dma_wait3A_108] : memref<2x128x256xf32, #tpu.memory_space<vmem>> -> memref<1x128x256xf32, #tpu.memory_space<vmem>>
      %dma_wait3A_110 = tpu.memref_squeeze %dma_wait3A_109 : memref<1x128x256xf32, #tpu.memory_space<vmem>> -> memref<128x256xf32, #tpu.memory_space<vmem>>
      %dma_wait3A_111 = arith.constant 0 : i32
      %dma_wait3A_112 = tpu.memref_slice %arg4[%mul3A_107, %dma_wait3A_111] : memref<8192x256xf32, #tpu.memory_space<hbm>> -> memref<128x256xf32, #tpu.memory_space<hbm>>
      %dma_wait3A_113 = tpu.memref_slice %run_scoped3A_9[%rem3A_105] : memref<2x!tpu.dma_semaphore, #tpu.memory_space<semaphore_mem>> -> memref<1x!tpu.dma_semaphore, #tpu.memory_space<semaphore_mem>>
      %dma_wait3A_114 = tpu.memref_squeeze %dma_wait3A_113 : memref<1x!tpu.dma_semaphore, #tpu.memory_space<semaphore_mem>> -> memref<!tpu.dma_semaphore, #tpu.memory_space<semaphore_mem>>
      %dma_wait3A_115 = arith.constant 0 : i32
      %dma_wait3A_116 = tpu.memref_slice %arg4[%mul3A_107, %dma_wait3A_115] : memref<8192x256xf32, #tpu.memory_space<hbm>> -> memref<128x256xf32, #tpu.memory_space<hbm>>
      %dma_wait3A_117 = arith.constant 0 : i32
      %dma_wait3A_118 = arith.constant 0 : i32
      %dma_wait3A_119 = tpu.memref_slice %run_scoped3A_8[%rem3A_105, %dma_wait3A_117, %dma_wait3A_118] : memref<2x128x256xf32, #tpu.memory_space<vmem>> -> memref<1x128x256xf32, #tpu.memory_space<vmem>>
      %dma_wait3A_120 = tpu.memref_squeeze %dma_wait3A_119 : memref<1x128x256xf32, #tpu.memory_space<vmem>> -> memref<128x256xf32, #tpu.memory_space<vmem>>
      tpu.wait_dma2 semaphore(%dma_wait3A_114 : memref<!tpu.dma_semaphore, #tpu.memory_space<semaphore_mem>>) src(%dma_wait3A_120 : memref<128x256xf32, #tpu.memory_space<vmem>>) dst(%dma_wait3A_116 : memref<128x256xf32, #tpu.memory_space<hbm>>)
      "tpu.trace_stop"() : () -> ()
      tpu.yield
    }) : () -> ()
    return
  }
}

module attributes {stable_mosaic.version = 14 : i64} {
  func.func @_dist_argmin_body(%arg0: i32, %arg1: i32, %arg2: memref<1024x256xf32, #tpu.memory_space<vmem>>, %arg3: memref<2048x256xf32, #tpu.memory_space<vmem>>, %arg4: memref<1x1x1024xf32, #tpu.memory_space<vmem>>, %arg5: memref<1x2048x1xf32, #tpu.memory_space<vmem>>, %arg6: memref<1x1x1024xi32, #tpu.memory_space<vmem>>, %arg7: memref<1024xf32, #tpu.memory_space<vmem>>, %arg8: memref<1024xi32, #tpu.memory_space<vmem>>, %arg9: memref<1024xf32, #tpu.memory_space<vmem>>, %arg10: memref<1024xi32, #tpu.memory_space<vmem>>) attributes {dimension_semantics = [#tpu.dimension_semantics<parallel>, #tpu.dimension_semantics<arbitrary>], iteration_bounds = array<i64: 8, 4>, scalar_prefetch = 0 : i64, scratch_operands = 4 : i64, tpu.core_type = #tpu.core_type<tc>, window_params = [{transform_indices = @transform_0, window_bounds = array<i64: 1024, 256>}, {transform_indices = @transform_1, window_bounds = array<i64: 2048, 256>}, {transform_indices = @transform_2, window_bounds = array<i64: 1, 1, 1024>}, {transform_indices = @transform_3, window_bounds = array<i64: 1, 2048, 1>}, {transform_indices = @transform_4, window_bounds = array<i64: 1, 1, 1024>}]} {
    %get3A = arith.constant 0 : index
    %get3A_0 = arith.constant 0 : index
    %get3A_1 = vector.load %arg2[%get3A, %get3A_0] : memref<1024x256xf32, #tpu.memory_space<vmem>>, vector<1024x256xf32>
    %get3A_2 = arith.constant 0 : index
    %get3A_3 = arith.constant 0 : index
    %get3A_4 = vector.load %arg3[%get3A_2, %get3A_3] : memref<2048x256xf32, #tpu.memory_space<vmem>>, vector<2048x256xf32>
    %get3A_5 = arith.constant 0 : index
    %get3A_6 = arith.constant 0 : index
    %get3A_7 = arith.constant 0 : index
    %get3A_8 = vector.load %arg4[%get3A_5, %get3A_6, %get3A_7] : memref<1x1x1024xf32, #tpu.memory_space<vmem>>, vector<1x1x1024xf32>
    %get3A_9 = vector.shape_cast %get3A_8 : vector<1x1x1024xf32> to vector<1024xf32>
    %get3A_10 = arith.constant 0 : index
    %get3A_11 = arith.constant 0 : index
    %get3A_12 = arith.constant 0 : index
    %get3A_13 = vector.load %arg5[%get3A_10, %get3A_11, %get3A_12] : memref<1x2048x1xf32, #tpu.memory_space<vmem>>, vector<1x2048x1xf32>
    %get3A_14 = vector.shape_cast %get3A_13 : vector<1x2048x1xf32> to vector<2048x1xf32>
    %dot_general3A = arith.constant dense<0.000000e+00> : vector<2048x1024xf32>
    %dot_general3A_15 = tpu.matmul %get3A_4, %get3A_1, %dot_general3A {dimension_numbers = #tpu.dot_dimension_numbers<[1], [1], [0], [0], [0, 0, 1, 0], [], []>, transpose_lhs_hint = false} : vector<2048x256xf32>, vector<1024x256xf32>, vector<2048x1024xf32> -> vector<2048x1024xf32>
    %broadcast_in_dim3A = vector.shape_cast %get3A_9 : vector<1024xf32> to vector<1x1024xf32>
    %add3A = vector.broadcast %get3A_14 : vector<2048x1xf32> to vector<2048x1024xf32>
    %add3A_16 = vector.broadcast %broadcast_in_dim3A : vector<1x1024xf32> to vector<2048x1024xf32>
    %add3A_17 = arith.addf %add3A, %add3A_16 : vector<2048x1024xf32>
    %mul3A = arith.constant 2.000000e+00 : f32
    %mul3A_18 = vector.broadcast %mul3A : f32 to vector<2048x1024xf32>
    %mul3A_19 = arith.mulf %mul3A_18, %dot_general3A_15 : vector<2048x1024xf32>
    %sub3A = arith.subf %add3A_17, %mul3A_19 : vector<2048x1024xf32>
    %iota3A = tpu.iota {dimensions = array<i32: 0>} : vector<2048x1024xi32>
    %mul3A_20 = arith.constant 2048 : i32
    %mul3A_21 = arith.muli %arg1, %mul3A_20 : i32
    %add3A_22 = vector.broadcast %mul3A_21 : i32 to vector<2048x1024xi32>
    %add3A_23 = arith.addi %iota3A, %add3A_22 : vector<2048x1024xi32>
    %eq3A = arith.constant 0 : i32
    %eq3A_24 = arith.cmpi eq, %arg1, %eq3A : i32
    %convert_element_type3A = arith.extui %eq3A_24 : i1 to i32
    %cond3A = arith.constant 0 : i32
    %cond3A_25 = arith.cmpi ne, %convert_element_type3A, %cond3A : i32
    scf.if %cond3A_25 {
      %broadcast_in_dim3A_51 = arith.constant 0x7F800000 : f32
      %broadcast_in_dim3A_52 = vector.broadcast %broadcast_in_dim3A_51 : f32 to vector<1024xf32>
      %swap3A_53 = arith.constant 0 : index
      %swap3A_54 = vector.load %arg9[%swap3A_53] : memref<1024xf32, #tpu.memory_space<vmem>>, vector<1024xf32>
      tpu.vector_store %arg9[%swap3A_53], %broadcast_in_dim3A_52 {strides = array<i32>} : memref<1024xf32, #tpu.memory_space<vmem>>, vector<1024xf32>,
      %broadcast_in_dim3A_55 = arith.constant 0 : i32
      %broadcast_in_dim3A_56 = vector.broadcast %broadcast_in_dim3A_55 : i32 to vector<1024xi32>
      %swap3A_57 = arith.constant 0 : index
      %swap3A_58 = vector.load %arg10[%swap3A_57] : memref<1024xi32, #tpu.memory_space<vmem>>, vector<1024xi32>
      tpu.vector_store %arg10[%swap3A_57], %broadcast_in_dim3A_56 {strides = array<i32>} : memref<1024xi32, #tpu.memory_space<vmem>>, vector<1024xi32>,
    } else {
    }
    %reduce_min3A = arith.constant dense<0x7F800000> : vector<1024xf32>
    %reduce_min3A_26 = vector.multi_reduction <minimumf>, %sub3A, %reduce_min3A [0] : vector<2048x1024xf32> to vector<1024xf32>
    %broadcast_in_dim3A_27 = vector.shape_cast %reduce_min3A_26 : vector<1024xf32> to vector<1x1024xf32>
    %eq3A_28 = vector.broadcast %broadcast_in_dim3A_27 : vector<1x1024xf32> to vector<2048x1024xf32>
    %eq3A_29 = arith.cmpf oeq, %sub3A, %eq3A_28 : vector<2048x1024xf32>
    %jit3A = arith.constant 2147483647 : i32
    %broadcast_in_dim3A_30 = vector.broadcast %jit3A : i32 to vector<2048x1024xi32>
    %select_n3A = arith.select %eq3A_29, %add3A_23, %broadcast_in_dim3A_30 : vector<2048x1024xi1>, vector<2048x1024xi32>
    %reduce_min3A_31 = arith.constant dense<2147483647> : vector<1024xi32>
    %reduce_min3A_32 = vector.multi_reduction <minsi>, %select_n3A, %reduce_min3A_31 [0] : vector<2048x1024xi32> to vector<1024xi32>
    %get3A_33 = arith.constant 0 : index
    %get3A_34 = vector.load %arg9[%get3A_33] : memref<1024xf32, #tpu.memory_space<vmem>>, vector<1024xf32>
    %lt3A = arith.cmpf olt, %reduce_min3A_26, %get3A_34 : vector<1024xf32>
    %get3A_35 = arith.constant 0 : index
    %get3A_36 = vector.load %arg10[%get3A_35] : memref<1024xi32, #tpu.memory_space<vmem>>, vector<1024xi32>
    %select_n3A_37 = arith.select %lt3A, %reduce_min3A_32, %get3A_36 : vector<1024xi1>, vector<1024xi32>
    %swap3A = arith.constant 0 : index
    %swap3A_38 = vector.load %arg10[%swap3A] : memref<1024xi32, #tpu.memory_space<vmem>>, vector<1024xi32>
    tpu.vector_store %arg10[%swap3A], %select_n3A_37 {strides = array<i32>} : memref<1024xi32, #tpu.memory_space<vmem>>, vector<1024xi32>,
    %get3A_39 = arith.constant 0 : index
    %get3A_40 = vector.load %arg9[%get3A_39] : memref<1024xf32, #tpu.memory_space<vmem>>, vector<1024xf32>
    %select_n3A_41 = arith.select %lt3A, %reduce_min3A_26, %get3A_40 : vector<1024xi1>, vector<1024xf32>
    %convert_element_type3A_42 = arith.truncf %select_n3A_41 : vector<1024xf32> to vector<1024xbf16>
    %convert_element_type3A_43 = arith.extf %convert_element_type3A_42 : vector<1024xbf16> to vector<1024xf32>
    %swap3A_44 = arith.constant 0 : index
    %swap3A_45 = vector.load %arg9[%swap3A_44] : memref<1024xf32, #tpu.memory_space<vmem>>, vector<1024xf32>
    tpu.vector_store %arg9[%swap3A_44], %convert_element_type3A_43 {strides = array<i32>} : memref<1024xf32, #tpu.memory_space<vmem>>, vector<1024xf32>,
    %eq3A_46 = arith.constant 3 : i32
    %eq3A_47 = arith.cmpi eq, %arg1, %eq3A_46 : i32
    %convert_element_type3A_48 = arith.extui %eq3A_47 : i1 to i32
    %cond3A_49 = arith.constant 0 : i32
    %cond3A_50 = arith.cmpi ne, %convert_element_type3A_48, %cond3A_49 : i32
    scf.if %cond3A_50 {
      %get3A_51 = arith.constant 0 : index
      %get3A_52 = vector.load %arg10[%get3A_51] : memref<1024xi32, #tpu.memory_space<vmem>>, vector<1024xi32>
      %swap3A_53 = arith.constant 0 : index
      %swap3A_54 = arith.constant 0 : index
      %swap3A_55 = arith.constant 0 : index
      %swap3A_56 = vector.load %arg6[%swap3A_53, %swap3A_54, %swap3A_55] : memref<1x1x1024xi32, #tpu.memory_space<vmem>>, vector<1x1x1024xi32>
      %swap3A_57 = vector.shape_cast %swap3A_56 : vector<1x1x1024xi32> to vector<1024xi32>
      %swap3A_58 = vector.shape_cast %get3A_52 : vector<1024xi32> to vector<1x1x1024xi32>
      tpu.vector_store %arg6[%swap3A_53, %swap3A_54, %swap3A_55], %swap3A_58 {strides = array<i32>} : memref<1x1x1024xi32, #tpu.memory_space<vmem>>, vector<1x1x1024xi32>,
    } else {
    }
    return
  }
  func.func @transform_0(%arg0: i32, %arg1: i32) -> (i32, i32) {
    %c0_i32 = arith.constant 0 : i32
    %c0_i32_0 = arith.constant 0 : i32
    return %arg0, %c0_i32 : i32, i32
  }
  func.func @transform_1(%arg0: i32, %arg1: i32) -> (i32, i32) {
    %c0_i32 = arith.constant 0 : i32
    %c0_i32_0 = arith.constant 0 : i32
    return %arg1, %c0_i32 : i32, i32
  }
  func.func @transform_2(%arg0: i32, %arg1: i32) -> (i32, i32, i32) {
    %c0_i32 = arith.constant 0 : i32
    %c0_i32_0 = arith.constant 0 : i32
    %c0_i32_1 = arith.constant 0 : i32
    return %arg0, %c0_i32, %c0_i32_0 : i32, i32, i32
  }
  func.func @transform_3(%arg0: i32, %arg1: i32) -> (i32, i32, i32) {
    %c0_i32 = arith.constant 0 : i32
    %c0_i32_0 = arith.constant 0 : i32
    %c0_i32_1 = arith.constant 0 : i32
    return %arg1, %c0_i32, %c0_i32_0 : i32, i32, i32
  }
  func.func @transform_4(%arg0: i32, %arg1: i32) -> (i32, i32, i32) {
    %c0_i32 = arith.constant 0 : i32
    %c0_i32_0 = arith.constant 0 : i32
    %c0_i32_1 = arith.constant 0 : i32
    return %arg0, %c0_i32, %c0_i32_0 : i32, i32, i32
  }
}

module attributes {stable_mosaic.version = 14 : i64} {
  func.func @_hist_body(%arg0: i32, %arg1: memref<1x1x1024xi32, #tpu.memory_space<vmem>>, %arg2: memref<1x8192xf32, #tpu.memory_space<vmem>>, %arg3: memref<1x1xf32, #tpu.memory_space<vmem>>) attributes {dimension_semantics = [#tpu.dimension_semantics<arbitrary>], iteration_bounds = array<i64: 8>, scalar_prefetch = 0 : i64, scratch_operands = 0 : i64, tpu.core_type = #tpu.core_type<tc>, window_params = [{transform_indices = @transform_0, window_bounds = array<i64: 1, 1, 1024>}, {pipeline_mode = #tpu.pipeline_mode<synchronous>, transform_indices = @transform_1, window_bounds = array<i64: 1, 8192>}, {pipeline_mode = #tpu.pipeline_mode<synchronous>, transform_indices = @transform_2, window_bounds = array<i64: 1, 1>}]} {
    %get3A = arith.constant 0 : index
    %get3A_0 = arith.constant 0 : index
    %get3A_1 = arith.constant 0 : index
    %get3A_2 = vector.load %arg1[%get3A, %get3A_0, %get3A_1] : memref<1x1x1024xi32, #tpu.memory_space<vmem>>, vector<1x1x1024xi32>
    %get3A_3 = vector.shape_cast %get3A_2 : vector<1x1x1024xi32> to vector<1024xi32>
    %iota3A = tpu.iota {dimensions = array<i32: 1>} : vector<8x8192xi32>
    %broadcast_in_dim3A = arith.constant 0.000000e+00 : f32
    %broadcast_in_dim3A_4 = vector.broadcast %broadcast_in_dim3A : f32 to vector<8x8192xf32>
    %slice3A = vector.extract_strided_slice %get3A_3 {offsets = [0], sizes = [8], strides = [1]} : vector<1024xi32> to vector<8xi32>
    %broadcast_in_dim3A_5 = vector.shape_cast %slice3A : vector<8xi32> to vector<8x1xi32>
    %eq3A = vector.broadcast %broadcast_in_dim3A_5 : vector<8x1xi32> to vector<8x8192xi32>
    %eq3A_6 = arith.cmpi eq, %eq3A, %iota3A : vector<8x8192xi32>
    %convert_element_type3A = arith.extui %eq3A_6 : vector<8x8192xi1> to vector<8x8192xi32>
    %convert_element_type3A_7 = arith.sitofp %convert_element_type3A : vector<8x8192xi32> to vector<8x8192xf32>
    %add3A = arith.addf %broadcast_in_dim3A_4, %convert_element_type3A_7 : vector<8x8192xf32>
    %slice3A_8 = vector.extract_strided_slice %get3A_3 {offsets = [8], sizes = [8], strides = [1]} : vector<1024xi32> to vector<8xi32>
    %broadcast_in_dim3A_9 = vector.shape_cast %slice3A_8 : vector<8xi32> to vector<8x1xi32>
    %eq3A_10 = vector.broadcast %broadcast_in_dim3A_9 : vector<8x1xi32> to vector<8x8192xi32>
    %eq3A_11 = arith.cmpi eq, %eq3A_10, %iota3A : vector<8x8192xi32>
    %convert_element_type3A_12 = arith.extui %eq3A_11 : vector<8x8192xi1> to vector<8x8192xi32>
    %convert_element_type3A_13 = arith.sitofp %convert_element_type3A_12 : vector<8x8192xi32> to vector<8x8192xf32>
    %add3A_14 = arith.addf %add3A, %convert_element_type3A_13 : vector<8x8192xf32>
    %slice3A_15 = vector.extract_strided_slice %get3A_3 {offsets = [16], sizes = [8], strides = [1]} : vector<1024xi32> to vector<8xi32>
    %broadcast_in_dim3A_16 = vector.shape_cast %slice3A_15 : vector<8xi32> to vector<8x1xi32>
    %eq3A_17 = vector.broadcast %broadcast_in_dim3A_16 : vector<8x1xi32> to vector<8x8192xi32>
    %eq3A_18 = arith.cmpi eq, %eq3A_17, %iota3A : vector<8x8192xi32>
    %convert_element_type3A_19 = arith.extui %eq3A_18 : vector<8x8192xi1> to vector<8x8192xi32>
    %convert_element_type3A_20 = arith.sitofp %convert_element_type3A_19 : vector<8x8192xi32> to vector<8x8192xf32>
    %add3A_21 = arith.addf %add3A_14, %convert_element_type3A_20 : vector<8x8192xf32>
    %slice3A_22 = vector.extract_strided_slice %get3A_3 {offsets = [24], sizes = [8], strides = [1]} : vector<1024xi32> to vector<8xi32>
    %broadcast_in_dim3A_23 = vector.shape_cast %slice3A_22 : vector<8xi32> to vector<8x1xi32>
    %eq3A_24 = vector.broadcast %broadcast_in_dim3A_23 : vector<8x1xi32> to vector<8x8192xi32>
    %eq3A_25 = arith.cmpi eq, %eq3A_24, %iota3A : vector<8x8192xi32>
    %convert_element_type3A_26 = arith.extui %eq3A_25 : vector<8x8192xi1> to vector<8x8192xi32>
    %convert_element_type3A_27 = arith.sitofp %convert_element_type3A_26 : vector<8x8192xi32> to vector<8x8192xf32>
    %add3A_28 = arith.addf %add3A_21, %convert_element_type3A_27 : vector<8x8192xf32>
    %slice3A_29 = vector.extract_strided_slice %get3A_3 {offsets = [32], sizes = [8], strides = [1]} : vector<1024xi32> to vector<8xi32>
    %broadcast_in_dim3A_30 = vector.shape_cast %slice3A_29 : vector<8xi32> to vector<8x1xi32>
    %eq3A_31 = vector.broadcast %broadcast_in_dim3A_30 : vector<8x1xi32> to vector<8x8192xi32>
    %eq3A_32 = arith.cmpi eq, %eq3A_31, %iota3A : vector<8x8192xi32>
    %convert_element_type3A_33 = arith.extui %eq3A_32 : vector<8x8192xi1> to vector<8x8192xi32>
    %convert_element_type3A_34 = arith.sitofp %convert_element_type3A_33 : vector<8x8192xi32> to vector<8x8192xf32>
    %add3A_35 = arith.addf %add3A_28, %convert_element_type3A_34 : vector<8x8192xf32>
    %slice3A_36 = vector.extract_strided_slice %get3A_3 {offsets = [40], sizes = [8], strides = [1]} : vector<1024xi32> to vector<8xi32>
    %broadcast_in_dim3A_37 = vector.shape_cast %slice3A_36 : vector<8xi32> to vector<8x1xi32>
    %eq3A_38 = vector.broadcast %broadcast_in_dim3A_37 : vector<8x1xi32> to vector<8x8192xi32>
    %eq3A_39 = arith.cmpi eq, %eq3A_38, %iota3A : vector<8x8192xi32>
    %convert_element_type3A_40 = arith.extui %eq3A_39 : vector<8x8192xi1> to vector<8x8192xi32>
    %convert_element_type3A_41 = arith.sitofp %convert_element_type3A_40 : vector<8x8192xi32> to vector<8x8192xf32>
    %add3A_42 = arith.addf %add3A_35, %convert_element_type3A_41 : vector<8x8192xf32>
    %slice3A_43 = vector.extract_strided_slice %get3A_3 {offsets = [48], sizes = [8], strides = [1]} : vector<1024xi32> to vector<8xi32>
    %broadcast_in_dim3A_44 = vector.shape_cast %slice3A_43 : vector<8xi32> to vector<8x1xi32>
    %eq3A_45 = vector.broadcast %broadcast_in_dim3A_44 : vector<8x1xi32> to vector<8x8192xi32>
    %eq3A_46 = arith.cmpi eq, %eq3A_45, %iota3A : vector<8x8192xi32>
    %convert_element_type3A_47 = arith.extui %eq3A_46 : vector<8x8192xi1> to vector<8x8192xi32>
    %convert_element_type3A_48 = arith.sitofp %convert_element_type3A_47 : vector<8x8192xi32> to vector<8x8192xf32>
    %add3A_49 = arith.addf %add3A_42, %convert_element_type3A_48 : vector<8x8192xf32>
    %slice3A_50 = vector.extract_strided_slice %get3A_3 {offsets = [56], sizes = [8], strides = [1]} : vector<1024xi32> to vector<8xi32>
    %broadcast_in_dim3A_51 = vector.shape_cast %slice3A_50 : vector<8xi32> to vector<8x1xi32>
    %eq3A_52 = vector.broadcast %broadcast_in_dim3A_51 : vector<8x1xi32> to vector<8x8192xi32>
    %eq3A_53 = arith.cmpi eq, %eq3A_52, %iota3A : vector<8x8192xi32>
    %convert_element_type3A_54 = arith.extui %eq3A_53 : vector<8x8192xi1> to vector<8x8192xi32>
    %convert_element_type3A_55 = arith.sitofp %convert_element_type3A_54 : vector<8x8192xi32> to vector<8x8192xf32>
    %add3A_56 = arith.addf %add3A_49, %convert_element_type3A_55 : vector<8x8192xf32>
    %slice3A_57 = vector.extract_strided_slice %get3A_3 {offsets = [64], sizes = [8], strides = [1]} : vector<1024xi32> to vector<8xi32>
    %broadcast_in_dim3A_58 = vector.shape_cast %slice3A_57 : vector<8xi32> to vector<8x1xi32>
    %eq3A_59 = vector.broadcast %broadcast_in_dim3A_58 : vector<8x1xi32> to vector<8x8192xi32>
    %eq3A_60 = arith.cmpi eq, %eq3A_59, %iota3A : vector<8x8192xi32>
    %convert_element_type3A_61 = arith.extui %eq3A_60 : vector<8x8192xi1> to vector<8x8192xi32>
    %convert_element_type3A_62 = arith.sitofp %convert_element_type3A_61 : vector<8x8192xi32> to vector<8x8192xf32>
    %add3A_63 = arith.addf %add3A_56, %convert_element_type3A_62 : vector<8x8192xf32>
    %slice3A_64 = vector.extract_strided_slice %get3A_3 {offsets = [72], sizes = [8], strides = [1]} : vector<1024xi32> to vector<8xi32>
    %broadcast_in_dim3A_65 = vector.shape_cast %slice3A_64 : vector<8xi32> to vector<8x1xi32>
    %eq3A_66 = vector.broadcast %broadcast_in_dim3A_65 : vector<8x1xi32> to vector<8x8192xi32>
    %eq3A_67 = arith.cmpi eq, %eq3A_66, %iota3A : vector<8x8192xi32>
    %convert_element_type3A_68 = arith.extui %eq3A_67 : vector<8x8192xi1> to vector<8x8192xi32>
    %convert_element_type3A_69 = arith.sitofp %convert_element_type3A_68 : vector<8x8192xi32> to vector<8x8192xf32>
    %add3A_70 = arith.addf %add3A_63, %convert_element_type3A_69 : vector<8x8192xf32>
    %slice3A_71 = vector.extract_strided_slice %get3A_3 {offsets = [80], sizes = [8], strides = [1]} : vector<1024xi32> to vector<8xi32>
    %broadcast_in_dim3A_72 = vector.shape_cast %slice3A_71 : vector<8xi32> to vector<8x1xi32>
    %eq3A_73 = vector.broadcast %broadcast_in_dim3A_72 : vector<8x1xi32> to vector<8x8192xi32>
    %eq3A_74 = arith.cmpi eq, %eq3A_73, %iota3A : vector<8x8192xi32>
    %convert_element_type3A_75 = arith.extui %eq3A_74 : vector<8x8192xi1> to vector<8x8192xi32>
    %convert_element_type3A_76 = arith.sitofp %convert_element_type3A_75 : vector<8x8192xi32> to vector<8x8192xf32>
    %add3A_77 = arith.addf %add3A_70, %convert_element_type3A_76 : vector<8x8192xf32>
    %slice3A_78 = vector.extract_strided_slice %get3A_3 {offsets = [88], sizes = [8], strides = [1]} : vector<1024xi32> to vector<8xi32>
    %broadcast_in_dim3A_79 = vector.shape_cast %slice3A_78 : vector<8xi32> to vector<8x1xi32>
    %eq3A_80 = vector.broadcast %broadcast_in_dim3A_79 : vector<8x1xi32> to vector<8x8192xi32>
    %eq3A_81 = arith.cmpi eq, %eq3A_80, %iota3A : vector<8x8192xi32>
    %convert_element_type3A_82 = arith.extui %eq3A_81 : vector<8x8192xi1> to vector<8x8192xi32>
    %convert_element_type3A_83 = arith.sitofp %convert_element_type3A_82 : vector<8x8192xi32> to vector<8x8192xf32>
    %add3A_84 = arith.addf %add3A_77, %convert_element_type3A_83 : vector<8x8192xf32>
    %slice3A_85 = vector.extract_strided_slice %get3A_3 {offsets = [96], sizes = [8], strides = [1]} : vector<1024xi32> to vector<8xi32>
    %broadcast_in_dim3A_86 = vector.shape_cast %slice3A_85 : vector<8xi32> to vector<8x1xi32>
    %eq3A_87 = vector.broadcast %broadcast_in_dim3A_86 : vector<8x1xi32> to vector<8x8192xi32>
    %eq3A_88 = arith.cmpi eq, %eq3A_87, %iota3A : vector<8x8192xi32>
    %convert_element_type3A_89 = arith.extui %eq3A_88 : vector<8x8192xi1> to vector<8x8192xi32>
    %convert_element_type3A_90 = arith.sitofp %convert_element_type3A_89 : vector<8x8192xi32> to vector<8x8192xf32>
    %add3A_91 = arith.addf %add3A_84, %convert_element_type3A_90 : vector<8x8192xf32>
    %slice3A_92 = vector.extract_strided_slice %get3A_3 {offsets = [104], sizes = [8], strides = [1]} : vector<1024xi32> to vector<8xi32>
    %broadcast_in_dim3A_93 = vector.shape_cast %slice3A_92 : vector<8xi32> to vector<8x1xi32>
    %eq3A_94 = vector.broadcast %broadcast_in_dim3A_93 : vector<8x1xi32> to vector<8x8192xi32>
    %eq3A_95 = arith.cmpi eq, %eq3A_94, %iota3A : vector<8x8192xi32>
    %convert_element_type3A_96 = arith.extui %eq3A_95 : vector<8x8192xi1> to vector<8x8192xi32>
    %convert_element_type3A_97 = arith.sitofp %convert_element_type3A_96 : vector<8x8192xi32> to vector<8x8192xf32>
    %add3A_98 = arith.addf %add3A_91, %convert_element_type3A_97 : vector<8x8192xf32>
    %slice3A_99 = vector.extract_strided_slice %get3A_3 {offsets = [112], sizes = [8], strides = [1]} : vector<1024xi32> to vector<8xi32>
    %broadcast_in_dim3A_100 = vector.shape_cast %slice3A_99 : vector<8xi32> to vector<8x1xi32>
    %eq3A_101 = vector.broadcast %broadcast_in_dim3A_100 : vector<8x1xi32> to vector<8x8192xi32>
    %eq3A_102 = arith.cmpi eq, %eq3A_101, %iota3A : vector<8x8192xi32>
    %convert_element_type3A_103 = arith.extui %eq3A_102 : vector<8x8192xi1> to vector<8x8192xi32>
    %convert_element_type3A_104 = arith.sitofp %convert_element_type3A_103 : vector<8x8192xi32> to vector<8x8192xf32>
    %add3A_105 = arith.addf %add3A_98, %convert_element_type3A_104 : vector<8x8192xf32>
    %slice3A_106 = vector.extract_strided_slice %get3A_3 {offsets = [120], sizes = [8], strides = [1]} : vector<1024xi32> to vector<8xi32>
    %broadcast_in_dim3A_107 = vector.shape_cast %slice3A_106 : vector<8xi32> to vector<8x1xi32>
    %eq3A_108 = vector.broadcast %broadcast_in_dim3A_107 : vector<8x1xi32> to vector<8x8192xi32>
    %eq3A_109 = arith.cmpi eq, %eq3A_108, %iota3A : vector<8x8192xi32>
    %convert_element_type3A_110 = arith.extui %eq3A_109 : vector<8x8192xi1> to vector<8x8192xi32>
    %convert_element_type3A_111 = arith.sitofp %convert_element_type3A_110 : vector<8x8192xi32> to vector<8x8192xf32>
    %add3A_112 = arith.addf %add3A_105, %convert_element_type3A_111 : vector<8x8192xf32>
    %slice3A_113 = vector.extract_strided_slice %get3A_3 {offsets = [128], sizes = [8], strides = [1]} : vector<1024xi32> to vector<8xi32>
    %broadcast_in_dim3A_114 = vector.shape_cast %slice3A_113 : vector<8xi32> to vector<8x1xi32>
    %eq3A_115 = vector.broadcast %broadcast_in_dim3A_114 : vector<8x1xi32> to vector<8x8192xi32>
    %eq3A_116 = arith.cmpi eq, %eq3A_115, %iota3A : vector<8x8192xi32>
    %convert_element_type3A_117 = arith.extui %eq3A_116 : vector<8x8192xi1> to vector<8x8192xi32>
    %convert_element_type3A_118 = arith.sitofp %convert_element_type3A_117 : vector<8x8192xi32> to vector<8x8192xf32>
    %add3A_119 = arith.addf %add3A_112, %convert_element_type3A_118 : vector<8x8192xf32>
    %slice3A_120 = vector.extract_strided_slice %get3A_3 {offsets = [136], sizes = [8], strides = [1]} : vector<1024xi32> to vector<8xi32>
    %broadcast_in_dim3A_121 = vector.shape_cast %slice3A_120 : vector<8xi32> to vector<8x1xi32>
    %eq3A_122 = vector.broadcast %broadcast_in_dim3A_121 : vector<8x1xi32> to vector<8x8192xi32>
    %eq3A_123 = arith.cmpi eq, %eq3A_122, %iota3A : vector<8x8192xi32>
    %convert_element_type3A_124 = arith.extui %eq3A_123 : vector<8x8192xi1> to vector<8x8192xi32>
    %convert_element_type3A_125 = arith.sitofp %convert_element_type3A_124 : vector<8x8192xi32> to vector<8x8192xf32>
    %add3A_126 = arith.addf %add3A_119, %convert_element_type3A_125 : vector<8x8192xf32>
    %slice3A_127 = vector.extract_strided_slice %get3A_3 {offsets = [144], sizes = [8], strides = [1]} : vector<1024xi32> to vector<8xi32>
    %broadcast_in_dim3A_128 = vector.shape_cast %slice3A_127 : vector<8xi32> to vector<8x1xi32>
    %eq3A_129 = vector.broadcast %broadcast_in_dim3A_128 : vector<8x1xi32> to vector<8x8192xi32>
    %eq3A_130 = arith.cmpi eq, %eq3A_129, %iota3A : vector<8x8192xi32>
    %convert_element_type3A_131 = arith.extui %eq3A_130 : vector<8x8192xi1> to vector<8x8192xi32>
    %convert_element_type3A_132 = arith.sitofp %convert_element_type3A_131 : vector<8x8192xi32> to vector<8x8192xf32>
    %add3A_133 = arith.addf %add3A_126, %convert_element_type3A_132 : vector<8x8192xf32>
    %slice3A_134 = vector.extract_strided_slice %get3A_3 {offsets = [152], sizes = [8], strides = [1]} : vector<1024xi32> to vector<8xi32>
    %broadcast_in_dim3A_135 = vector.shape_cast %slice3A_134 : vector<8xi32> to vector<8x1xi32>
    %eq3A_136 = vector.broadcast %broadcast_in_dim3A_135 : vector<8x1xi32> to vector<8x8192xi32>
    %eq3A_137 = arith.cmpi eq, %eq3A_136, %iota3A : vector<8x8192xi32>
    %convert_element_type3A_138 = arith.extui %eq3A_137 : vector<8x8192xi1> to vector<8x8192xi32>
    %convert_element_type3A_139 = arith.sitofp %convert_element_type3A_138 : vector<8x8192xi32> to vector<8x8192xf32>
    %add3A_140 = arith.addf %add3A_133, %convert_element_type3A_139 : vector<8x8192xf32>
    %slice3A_141 = vector.extract_strided_slice %get3A_3 {offsets = [160], sizes = [8], strides = [1]} : vector<1024xi32> to vector<8xi32>
    %broadcast_in_dim3A_142 = vector.shape_cast %slice3A_141 : vector<8xi32> to vector<8x1xi32>
    %eq3A_143 = vector.broadcast %broadcast_in_dim3A_142 : vector<8x1xi32> to vector<8x8192xi32>
    %eq3A_144 = arith.cmpi eq, %eq3A_143, %iota3A : vector<8x8192xi32>
    %convert_element_type3A_145 = arith.extui %eq3A_144 : vector<8x8192xi1> to vector<8x8192xi32>
    %convert_element_type3A_146 = arith.sitofp %convert_element_type3A_145 : vector<8x8192xi32> to vector<8x8192xf32>
    %add3A_147 = arith.addf %add3A_140, %convert_element_type3A_146 : vector<8x8192xf32>
    %slice3A_148 = vector.extract_strided_slice %get3A_3 {offsets = [168], sizes = [8], strides = [1]} : vector<1024xi32> to vector<8xi32>
    %broadcast_in_dim3A_149 = vector.shape_cast %slice3A_148 : vector<8xi32> to vector<8x1xi32>
    %eq3A_150 = vector.broadcast %broadcast_in_dim3A_149 : vector<8x1xi32> to vector<8x8192xi32>
    %eq3A_151 = arith.cmpi eq, %eq3A_150, %iota3A : vector<8x8192xi32>
    %convert_element_type3A_152 = arith.extui %eq3A_151 : vector<8x8192xi1> to vector<8x8192xi32>
    %convert_element_type3A_153 = arith.sitofp %convert_element_type3A_152 : vector<8x8192xi32> to vector<8x8192xf32>
    %add3A_154 = arith.addf %add3A_147, %convert_element_type3A_153 : vector<8x8192xf32>
    %slice3A_155 = vector.extract_strided_slice %get3A_3 {offsets = [176], sizes = [8], strides = [1]} : vector<1024xi32> to vector<8xi32>
    %broadcast_in_dim3A_156 = vector.shape_cast %slice3A_155 : vector<8xi32> to vector<8x1xi32>
    %eq3A_157 = vector.broadcast %broadcast_in_dim3A_156 : vector<8x1xi32> to vector<8x8192xi32>
    %eq3A_158 = arith.cmpi eq, %eq3A_157, %iota3A : vector<8x8192xi32>
    %convert_element_type3A_159 = arith.extui %eq3A_158 : vector<8x8192xi1> to vector<8x8192xi32>
    %convert_element_type3A_160 = arith.sitofp %convert_element_type3A_159 : vector<8x8192xi32> to vector<8x8192xf32>
    %add3A_161 = arith.addf %add3A_154, %convert_element_type3A_160 : vector<8x8192xf32>
    %slice3A_162 = vector.extract_strided_slice %get3A_3 {offsets = [184], sizes = [8], strides = [1]} : vector<1024xi32> to vector<8xi32>
    %broadcast_in_dim3A_163 = vector.shape_cast %slice3A_162 : vector<8xi32> to vector<8x1xi32>
    %eq3A_164 = vector.broadcast %broadcast_in_dim3A_163 : vector<8x1xi32> to vector<8x8192xi32>
    %eq3A_165 = arith.cmpi eq, %eq3A_164, %iota3A : vector<8x8192xi32>
    %convert_element_type3A_166 = arith.extui %eq3A_165 : vector<8x8192xi1> to vector<8x8192xi32>
    %convert_element_type3A_167 = arith.sitofp %convert_element_type3A_166 : vector<8x8192xi32> to vector<8x8192xf32>
    %add3A_168 = arith.addf %add3A_161, %convert_element_type3A_167 : vector<8x8192xf32>
    %slice3A_169 = vector.extract_strided_slice %get3A_3 {offsets = [192], sizes = [8], strides = [1]} : vector<1024xi32> to vector<8xi32>
    %broadcast_in_dim3A_170 = vector.shape_cast %slice3A_169 : vector<8xi32> to vector<8x1xi32>
    %eq3A_171 = vector.broadcast %broadcast_in_dim3A_170 : vector<8x1xi32> to vector<8x8192xi32>
    %eq3A_172 = arith.cmpi eq, %eq3A_171, %iota3A : vector<8x8192xi32>
    %convert_element_type3A_173 = arith.extui %eq3A_172 : vector<8x8192xi1> to vector<8x8192xi32>
    %convert_element_type3A_174 = arith.sitofp %convert_element_type3A_173 : vector<8x8192xi32> to vector<8x8192xf32>
    %add3A_175 = arith.addf %add3A_168, %convert_element_type3A_174 : vector<8x8192xf32>
    %slice3A_176 = vector.extract_strided_slice %get3A_3 {offsets = [200], sizes = [8], strides = [1]} : vector<1024xi32> to vector<8xi32>
    %broadcast_in_dim3A_177 = vector.shape_cast %slice3A_176 : vector<8xi32> to vector<8x1xi32>
    %eq3A_178 = vector.broadcast %broadcast_in_dim3A_177 : vector<8x1xi32> to vector<8x8192xi32>
    %eq3A_179 = arith.cmpi eq, %eq3A_178, %iota3A : vector<8x8192xi32>
    %convert_element_type3A_180 = arith.extui %eq3A_179 : vector<8x8192xi1> to vector<8x8192xi32>
    %convert_element_type3A_181 = arith.sitofp %convert_element_type3A_180 : vector<8x8192xi32> to vector<8x8192xf32>
    %add3A_182 = arith.addf %add3A_175, %convert_element_type3A_181 : vector<8x8192xf32>
    %slice3A_183 = vector.extract_strided_slice %get3A_3 {offsets = [208], sizes = [8], strides = [1]} : vector<1024xi32> to vector<8xi32>
    %broadcast_in_dim3A_184 = vector.shape_cast %slice3A_183 : vector<8xi32> to vector<8x1xi32>
    %eq3A_185 = vector.broadcast %broadcast_in_dim3A_184 : vector<8x1xi32> to vector<8x8192xi32>
    %eq3A_186 = arith.cmpi eq, %eq3A_185, %iota3A : vector<8x8192xi32>
    %convert_element_type3A_187 = arith.extui %eq3A_186 : vector<8x8192xi1> to vector<8x8192xi32>
    %convert_element_type3A_188 = arith.sitofp %convert_element_type3A_187 : vector<8x8192xi32> to vector<8x8192xf32>
    %add3A_189 = arith.addf %add3A_182, %convert_element_type3A_188 : vector<8x8192xf32>
    %slice3A_190 = vector.extract_strided_slice %get3A_3 {offsets = [216], sizes = [8], strides = [1]} : vector<1024xi32> to vector<8xi32>
    %broadcast_in_dim3A_191 = vector.shape_cast %slice3A_190 : vector<8xi32> to vector<8x1xi32>
    %eq3A_192 = vector.broadcast %broadcast_in_dim3A_191 : vector<8x1xi32> to vector<8x8192xi32>
    %eq3A_193 = arith.cmpi eq, %eq3A_192, %iota3A : vector<8x8192xi32>
    %convert_element_type3A_194 = arith.extui %eq3A_193 : vector<8x8192xi1> to vector<8x8192xi32>
    %convert_element_type3A_195 = arith.sitofp %convert_element_type3A_194 : vector<8x8192xi32> to vector<8x8192xf32>
    %add3A_196 = arith.addf %add3A_189, %convert_element_type3A_195 : vector<8x8192xf32>
    %slice3A_197 = vector.extract_strided_slice %get3A_3 {offsets = [224], sizes = [8], strides = [1]} : vector<1024xi32> to vector<8xi32>
    %broadcast_in_dim3A_198 = vector.shape_cast %slice3A_197 : vector<8xi32> to vector<8x1xi32>
    %eq3A_199 = vector.broadcast %broadcast_in_dim3A_198 : vector<8x1xi32> to vector<8x8192xi32>
    %eq3A_200 = arith.cmpi eq, %eq3A_199, %iota3A : vector<8x8192xi32>
    %convert_element_type3A_201 = arith.extui %eq3A_200 : vector<8x8192xi1> to vector<8x8192xi32>
    %convert_element_type3A_202 = arith.sitofp %convert_element_type3A_201 : vector<8x8192xi32> to vector<8x8192xf32>
    %add3A_203 = arith.addf %add3A_196, %convert_element_type3A_202 : vector<8x8192xf32>
    %slice3A_204 = vector.extract_strided_slice %get3A_3 {offsets = [232], sizes = [8], strides = [1]} : vector<1024xi32> to vector<8xi32>
    %broadcast_in_dim3A_205 = vector.shape_cast %slice3A_204 : vector<8xi32> to vector<8x1xi32>
    %eq3A_206 = vector.broadcast %broadcast_in_dim3A_205 : vector<8x1xi32> to vector<8x8192xi32>
    %eq3A_207 = arith.cmpi eq, %eq3A_206, %iota3A : vector<8x8192xi32>
    %convert_element_type3A_208 = arith.extui %eq3A_207 : vector<8x8192xi1> to vector<8x8192xi32>
    %convert_element_type3A_209 = arith.sitofp %convert_element_type3A_208 : vector<8x8192xi32> to vector<8x8192xf32>
    %add3A_210 = arith.addf %add3A_203, %convert_element_type3A_209 : vector<8x8192xf32>
    %slice3A_211 = vector.extract_strided_slice %get3A_3 {offsets = [240], sizes = [8], strides = [1]} : vector<1024xi32> to vector<8xi32>
    %broadcast_in_dim3A_212 = vector.shape_cast %slice3A_211 : vector<8xi32> to vector<8x1xi32>
    %eq3A_213 = vector.broadcast %broadcast_in_dim3A_212 : vector<8x1xi32> to vector<8x8192xi32>
    %eq3A_214 = arith.cmpi eq, %eq3A_213, %iota3A : vector<8x8192xi32>
    %convert_element_type3A_215 = arith.extui %eq3A_214 : vector<8x8192xi1> to vector<8x8192xi32>
    %convert_element_type3A_216 = arith.sitofp %convert_element_type3A_215 : vector<8x8192xi32> to vector<8x8192xf32>
    %add3A_217 = arith.addf %add3A_210, %convert_element_type3A_216 : vector<8x8192xf32>
    %slice3A_218 = vector.extract_strided_slice %get3A_3 {offsets = [248], sizes = [8], strides = [1]} : vector<1024xi32> to vector<8xi32>
    %broadcast_in_dim3A_219 = vector.shape_cast %slice3A_218 : vector<8xi32> to vector<8x1xi32>
    %eq3A_220 = vector.broadcast %broadcast_in_dim3A_219 : vector<8x1xi32> to vector<8x8192xi32>
    %eq3A_221 = arith.cmpi eq, %eq3A_220, %iota3A : vector<8x8192xi32>
    %convert_element_type3A_222 = arith.extui %eq3A_221 : vector<8x8192xi1> to vector<8x8192xi32>
    %convert_element_type3A_223 = arith.sitofp %convert_element_type3A_222 : vector<8x8192xi32> to vector<8x8192xf32>
    %add3A_224 = arith.addf %add3A_217, %convert_element_type3A_223 : vector<8x8192xf32>
    %slice3A_225 = vector.extract_strided_slice %get3A_3 {offsets = [256], sizes = [8], strides = [1]} : vector<1024xi32> to vector<8xi32>
    %broadcast_in_dim3A_226 = vector.shape_cast %slice3A_225 : vector<8xi32> to vector<8x1xi32>
    %eq3A_227 = vector.broadcast %broadcast_in_dim3A_226 : vector<8x1xi32> to vector<8x8192xi32>
    %eq3A_228 = arith.cmpi eq, %eq3A_227, %iota3A : vector<8x8192xi32>
    %convert_element_type3A_229 = arith.extui %eq3A_228 : vector<8x8192xi1> to vector<8x8192xi32>
    %convert_element_type3A_230 = arith.sitofp %convert_element_type3A_229 : vector<8x8192xi32> to vector<8x8192xf32>
    %add3A_231 = arith.addf %add3A_224, %convert_element_type3A_230 : vector<8x8192xf32>
    %slice3A_232 = vector.extract_strided_slice %get3A_3 {offsets = [264], sizes = [8], strides = [1]} : vector<1024xi32> to vector<8xi32>
    %broadcast_in_dim3A_233 = vector.shape_cast %slice3A_232 : vector<8xi32> to vector<8x1xi32>
    %eq3A_234 = vector.broadcast %broadcast_in_dim3A_233 : vector<8x1xi32> to vector<8x8192xi32>
    %eq3A_235 = arith.cmpi eq, %eq3A_234, %iota3A : vector<8x8192xi32>
    %convert_element_type3A_236 = arith.extui %eq3A_235 : vector<8x8192xi1> to vector<8x8192xi32>
    %convert_element_type3A_237 = arith.sitofp %convert_element_type3A_236 : vector<8x8192xi32> to vector<8x8192xf32>
    %add3A_238 = arith.addf %add3A_231, %convert_element_type3A_237 : vector<8x8192xf32>
    %slice3A_239 = vector.extract_strided_slice %get3A_3 {offsets = [272], sizes = [8], strides = [1]} : vector<1024xi32> to vector<8xi32>
    %broadcast_in_dim3A_240 = vector.shape_cast %slice3A_239 : vector<8xi32> to vector<8x1xi32>
    %eq3A_241 = vector.broadcast %broadcast_in_dim3A_240 : vector<8x1xi32> to vector<8x8192xi32>
    %eq3A_242 = arith.cmpi eq, %eq3A_241, %iota3A : vector<8x8192xi32>
    %convert_element_type3A_243 = arith.extui %eq3A_242 : vector<8x8192xi1> to vector<8x8192xi32>
    %convert_element_type3A_244 = arith.sitofp %convert_element_type3A_243 : vector<8x8192xi32> to vector<8x8192xf32>
    %add3A_245 = arith.addf %add3A_238, %convert_element_type3A_244 : vector<8x8192xf32>
    %slice3A_246 = vector.extract_strided_slice %get3A_3 {offsets = [280], sizes = [8], strides = [1]} : vector<1024xi32> to vector<8xi32>
    %broadcast_in_dim3A_247 = vector.shape_cast %slice3A_246 : vector<8xi32> to vector<8x1xi32>
    %eq3A_248 = vector.broadcast %broadcast_in_dim3A_247 : vector<8x1xi32> to vector<8x8192xi32>
    %eq3A_249 = arith.cmpi eq, %eq3A_248, %iota3A : vector<8x8192xi32>
    %convert_element_type3A_250 = arith.extui %eq3A_249 : vector<8x8192xi1> to vector<8x8192xi32>
    %convert_element_type3A_251 = arith.sitofp %convert_element_type3A_250 : vector<8x8192xi32> to vector<8x8192xf32>
    %add3A_252 = arith.addf %add3A_245, %convert_element_type3A_251 : vector<8x8192xf32>
    %slice3A_253 = vector.extract_strided_slice %get3A_3 {offsets = [288], sizes = [8], strides = [1]} : vector<1024xi32> to vector<8xi32>
    %broadcast_in_dim3A_254 = vector.shape_cast %slice3A_253 : vector<8xi32> to vector<8x1xi32>
    %eq3A_255 = vector.broadcast %broadcast_in_dim3A_254 : vector<8x1xi32> to vector<8x8192xi32>
    %eq3A_256 = arith.cmpi eq, %eq3A_255, %iota3A : vector<8x8192xi32>
    %convert_element_type3A_257 = arith.extui %eq3A_256 : vector<8x8192xi1> to vector<8x8192xi32>
    %convert_element_type3A_258 = arith.sitofp %convert_element_type3A_257 : vector<8x8192xi32> to vector<8x8192xf32>
    %add3A_259 = arith.addf %add3A_252, %convert_element_type3A_258 : vector<8x8192xf32>
    %slice3A_260 = vector.extract_strided_slice %get3A_3 {offsets = [296], sizes = [8], strides = [1]} : vector<1024xi32> to vector<8xi32>
    %broadcast_in_dim3A_261 = vector.shape_cast %slice3A_260 : vector<8xi32> to vector<8x1xi32>
    %eq3A_262 = vector.broadcast %broadcast_in_dim3A_261 : vector<8x1xi32> to vector<8x8192xi32>
    %eq3A_263 = arith.cmpi eq, %eq3A_262, %iota3A : vector<8x8192xi32>
    %convert_element_type3A_264 = arith.extui %eq3A_263 : vector<8x8192xi1> to vector<8x8192xi32>
    %convert_element_type3A_265 = arith.sitofp %convert_element_type3A_264 : vector<8x8192xi32> to vector<8x8192xf32>
    %add3A_266 = arith.addf %add3A_259, %convert_element_type3A_265 : vector<8x8192xf32>
    %slice3A_267 = vector.extract_strided_slice %get3A_3 {offsets = [304], sizes = [8], strides = [1]} : vector<1024xi32> to vector<8xi32>
    %broadcast_in_dim3A_268 = vector.shape_cast %slice3A_267 : vector<8xi32> to vector<8x1xi32>
    %eq3A_269 = vector.broadcast %broadcast_in_dim3A_268 : vector<8x1xi32> to vector<8x8192xi32>
    %eq3A_270 = arith.cmpi eq, %eq3A_269, %iota3A : vector<8x8192xi32>
    %convert_element_type3A_271 = arith.extui %eq3A_270 : vector<8x8192xi1> to vector<8x8192xi32>
    %convert_element_type3A_272 = arith.sitofp %convert_element_type3A_271 : vector<8x8192xi32> to vector<8x8192xf32>
    %add3A_273 = arith.addf %add3A_266, %convert_element_type3A_272 : vector<8x8192xf32>
    %slice3A_274 = vector.extract_strided_slice %get3A_3 {offsets = [312], sizes = [8], strides = [1]} : vector<1024xi32> to vector<8xi32>
    %broadcast_in_dim3A_275 = vector.shape_cast %slice3A_274 : vector<8xi32> to vector<8x1xi32>
    %eq3A_276 = vector.broadcast %broadcast_in_dim3A_275 : vector<8x1xi32> to vector<8x8192xi32>
    %eq3A_277 = arith.cmpi eq, %eq3A_276, %iota3A : vector<8x8192xi32>
    %convert_element_type3A_278 = arith.extui %eq3A_277 : vector<8x8192xi1> to vector<8x8192xi32>
    %convert_element_type3A_279 = arith.sitofp %convert_element_type3A_278 : vector<8x8192xi32> to vector<8x8192xf32>
    %add3A_280 = arith.addf %add3A_273, %convert_element_type3A_279 : vector<8x8192xf32>
    %slice3A_281 = vector.extract_strided_slice %get3A_3 {offsets = [320], sizes = [8], strides = [1]} : vector<1024xi32> to vector<8xi32>
    %broadcast_in_dim3A_282 = vector.shape_cast %slice3A_281 : vector<8xi32> to vector<8x1xi32>
    %eq3A_283 = vector.broadcast %broadcast_in_dim3A_282 : vector<8x1xi32> to vector<8x8192xi32>
    %eq3A_284 = arith.cmpi eq, %eq3A_283, %iota3A : vector<8x8192xi32>
    %convert_element_type3A_285 = arith.extui %eq3A_284 : vector<8x8192xi1> to vector<8x8192xi32>
    %convert_element_type3A_286 = arith.sitofp %convert_element_type3A_285 : vector<8x8192xi32> to vector<8x8192xf32>
    %add3A_287 = arith.addf %add3A_280, %convert_element_type3A_286 : vector<8x8192xf32>
    %slice3A_288 = vector.extract_strided_slice %get3A_3 {offsets = [328], sizes = [8], strides = [1]} : vector<1024xi32> to vector<8xi32>
    %broadcast_in_dim3A_289 = vector.shape_cast %slice3A_288 : vector<8xi32> to vector<8x1xi32>
    %eq3A_290 = vector.broadcast %broadcast_in_dim3A_289 : vector<8x1xi32> to vector<8x8192xi32>
    %eq3A_291 = arith.cmpi eq, %eq3A_290, %iota3A : vector<8x8192xi32>
    %convert_element_type3A_292 = arith.extui %eq3A_291 : vector<8x8192xi1> to vector<8x8192xi32>
    %convert_element_type3A_293 = arith.sitofp %convert_element_type3A_292 : vector<8x8192xi32> to vector<8x8192xf32>
    %add3A_294 = arith.addf %add3A_287, %convert_element_type3A_293 : vector<8x8192xf32>
    %slice3A_295 = vector.extract_strided_slice %get3A_3 {offsets = [336], sizes = [8], strides = [1]} : vector<1024xi32> to vector<8xi32>
    %broadcast_in_dim3A_296 = vector.shape_cast %slice3A_295 : vector<8xi32> to vector<8x1xi32>
    %eq3A_297 = vector.broadcast %broadcast_in_dim3A_296 : vector<8x1xi32> to vector<8x8192xi32>
    %eq3A_298 = arith.cmpi eq, %eq3A_297, %iota3A : vector<8x8192xi32>
    %convert_element_type3A_299 = arith.extui %eq3A_298 : vector<8x8192xi1> to vector<8x8192xi32>
    %convert_element_type3A_300 = arith.sitofp %convert_element_type3A_299 : vector<8x8192xi32> to vector<8x8192xf32>
    %add3A_301 = arith.addf %add3A_294, %convert_element_type3A_300 : vector<8x8192xf32>
    %slice3A_302 = vector.extract_strided_slice %get3A_3 {offsets = [344], sizes = [8], strides = [1]} : vector<1024xi32> to vector<8xi32>
    %broadcast_in_dim3A_303 = vector.shape_cast %slice3A_302 : vector<8xi32> to vector<8x1xi32>
    %eq3A_304 = vector.broadcast %broadcast_in_dim3A_303 : vector<8x1xi32> to vector<8x8192xi32>
    %eq3A_305 = arith.cmpi eq, %eq3A_304, %iota3A : vector<8x8192xi32>
    %convert_element_type3A_306 = arith.extui %eq3A_305 : vector<8x8192xi1> to vector<8x8192xi32>
    %convert_element_type3A_307 = arith.sitofp %convert_element_type3A_306 : vector<8x8192xi32> to vector<8x8192xf32>
    %add3A_308 = arith.addf %add3A_301, %convert_element_type3A_307 : vector<8x8192xf32>
    %slice3A_309 = vector.extract_strided_slice %get3A_3 {offsets = [352], sizes = [8], strides = [1]} : vector<1024xi32> to vector<8xi32>
    %broadcast_in_dim3A_310 = vector.shape_cast %slice3A_309 : vector<8xi32> to vector<8x1xi32>
    %eq3A_311 = vector.broadcast %broadcast_in_dim3A_310 : vector<8x1xi32> to vector<8x8192xi32>
    %eq3A_312 = arith.cmpi eq, %eq3A_311, %iota3A : vector<8x8192xi32>
    %convert_element_type3A_313 = arith.extui %eq3A_312 : vector<8x8192xi1> to vector<8x8192xi32>
    %convert_element_type3A_314 = arith.sitofp %convert_element_type3A_313 : vector<8x8192xi32> to vector<8x8192xf32>
    %add3A_315 = arith.addf %add3A_308, %convert_element_type3A_314 : vector<8x8192xf32>
    %slice3A_316 = vector.extract_strided_slice %get3A_3 {offsets = [360], sizes = [8], strides = [1]} : vector<1024xi32> to vector<8xi32>
    %broadcast_in_dim3A_317 = vector.shape_cast %slice3A_316 : vector<8xi32> to vector<8x1xi32>
    %eq3A_318 = vector.broadcast %broadcast_in_dim3A_317 : vector<8x1xi32> to vector<8x8192xi32>
    %eq3A_319 = arith.cmpi eq, %eq3A_318, %iota3A : vector<8x8192xi32>
    %convert_element_type3A_320 = arith.extui %eq3A_319 : vector<8x8192xi1> to vector<8x8192xi32>
    %convert_element_type3A_321 = arith.sitofp %convert_element_type3A_320 : vector<8x8192xi32> to vector<8x8192xf32>
    %add3A_322 = arith.addf %add3A_315, %convert_element_type3A_321 : vector<8x8192xf32>
    %slice3A_323 = vector.extract_strided_slice %get3A_3 {offsets = [368], sizes = [8], strides = [1]} : vector<1024xi32> to vector<8xi32>
    %broadcast_in_dim3A_324 = vector.shape_cast %slice3A_323 : vector<8xi32> to vector<8x1xi32>
    %eq3A_325 = vector.broadcast %broadcast_in_dim3A_324 : vector<8x1xi32> to vector<8x8192xi32>
    %eq3A_326 = arith.cmpi eq, %eq3A_325, %iota3A : vector<8x8192xi32>
    %convert_element_type3A_327 = arith.extui %eq3A_326 : vector<8x8192xi1> to vector<8x8192xi32>
    %convert_element_type3A_328 = arith.sitofp %convert_element_type3A_327 : vector<8x8192xi32> to vector<8x8192xf32>
    %add3A_329 = arith.addf %add3A_322, %convert_element_type3A_328 : vector<8x8192xf32>
    %slice3A_330 = vector.extract_strided_slice %get3A_3 {offsets = [376], sizes = [8], strides = [1]} : vector<1024xi32> to vector<8xi32>
    %broadcast_in_dim3A_331 = vector.shape_cast %slice3A_330 : vector<8xi32> to vector<8x1xi32>
    %eq3A_332 = vector.broadcast %broadcast_in_dim3A_331 : vector<8x1xi32> to vector<8x8192xi32>
    %eq3A_333 = arith.cmpi eq, %eq3A_332, %iota3A : vector<8x8192xi32>
    %convert_element_type3A_334 = arith.extui %eq3A_333 : vector<8x8192xi1> to vector<8x8192xi32>
    %convert_element_type3A_335 = arith.sitofp %convert_element_type3A_334 : vector<8x8192xi32> to vector<8x8192xf32>
    %add3A_336 = arith.addf %add3A_329, %convert_element_type3A_335 : vector<8x8192xf32>
    %slice3A_337 = vector.extract_strided_slice %get3A_3 {offsets = [384], sizes = [8], strides = [1]} : vector<1024xi32> to vector<8xi32>
    %broadcast_in_dim3A_338 = vector.shape_cast %slice3A_337 : vector<8xi32> to vector<8x1xi32>
    %eq3A_339 = vector.broadcast %broadcast_in_dim3A_338 : vector<8x1xi32> to vector<8x8192xi32>
    %eq3A_340 = arith.cmpi eq, %eq3A_339, %iota3A : vector<8x8192xi32>
    %convert_element_type3A_341 = arith.extui %eq3A_340 : vector<8x8192xi1> to vector<8x8192xi32>
    %convert_element_type3A_342 = arith.sitofp %convert_element_type3A_341 : vector<8x8192xi32> to vector<8x8192xf32>
    %add3A_343 = arith.addf %add3A_336, %convert_element_type3A_342 : vector<8x8192xf32>
    %slice3A_344 = vector.extract_strided_slice %get3A_3 {offsets = [392], sizes = [8], strides = [1]} : vector<1024xi32> to vector<8xi32>
    %broadcast_in_dim3A_345 = vector.shape_cast %slice3A_344 : vector<8xi32> to vector<8x1xi32>
    %eq3A_346 = vector.broadcast %broadcast_in_dim3A_345 : vector<8x1xi32> to vector<8x8192xi32>
    %eq3A_347 = arith.cmpi eq, %eq3A_346, %iota3A : vector<8x8192xi32>
    %convert_element_type3A_348 = arith.extui %eq3A_347 : vector<8x8192xi1> to vector<8x8192xi32>
    %convert_element_type3A_349 = arith.sitofp %convert_element_type3A_348 : vector<8x8192xi32> to vector<8x8192xf32>
    %add3A_350 = arith.addf %add3A_343, %convert_element_type3A_349 : vector<8x8192xf32>
    %slice3A_351 = vector.extract_strided_slice %get3A_3 {offsets = [400], sizes = [8], strides = [1]} : vector<1024xi32> to vector<8xi32>
    %broadcast_in_dim3A_352 = vector.shape_cast %slice3A_351 : vector<8xi32> to vector<8x1xi32>
    %eq3A_353 = vector.broadcast %broadcast_in_dim3A_352 : vector<8x1xi32> to vector<8x8192xi32>
    %eq3A_354 = arith.cmpi eq, %eq3A_353, %iota3A : vector<8x8192xi32>
    %convert_element_type3A_355 = arith.extui %eq3A_354 : vector<8x8192xi1> to vector<8x8192xi32>
    %convert_element_type3A_356 = arith.sitofp %convert_element_type3A_355 : vector<8x8192xi32> to vector<8x8192xf32>
    %add3A_357 = arith.addf %add3A_350, %convert_element_type3A_356 : vector<8x8192xf32>
    %slice3A_358 = vector.extract_strided_slice %get3A_3 {offsets = [408], sizes = [8], strides = [1]} : vector<1024xi32> to vector<8xi32>
    %broadcast_in_dim3A_359 = vector.shape_cast %slice3A_358 : vector<8xi32> to vector<8x1xi32>
    %eq3A_360 = vector.broadcast %broadcast_in_dim3A_359 : vector<8x1xi32> to vector<8x8192xi32>
    %eq3A_361 = arith.cmpi eq, %eq3A_360, %iota3A : vector<8x8192xi32>
    %convert_element_type3A_362 = arith.extui %eq3A_361 : vector<8x8192xi1> to vector<8x8192xi32>
    %convert_element_type3A_363 = arith.sitofp %convert_element_type3A_362 : vector<8x8192xi32> to vector<8x8192xf32>
    %add3A_364 = arith.addf %add3A_357, %convert_element_type3A_363 : vector<8x8192xf32>
    %slice3A_365 = vector.extract_strided_slice %get3A_3 {offsets = [416], sizes = [8], strides = [1]} : vector<1024xi32> to vector<8xi32>
    %broadcast_in_dim3A_366 = vector.shape_cast %slice3A_365 : vector<8xi32> to vector<8x1xi32>
    %eq3A_367 = vector.broadcast %broadcast_in_dim3A_366 : vector<8x1xi32> to vector<8x8192xi32>
    %eq3A_368 = arith.cmpi eq, %eq3A_367, %iota3A : vector<8x8192xi32>
    %convert_element_type3A_369 = arith.extui %eq3A_368 : vector<8x8192xi1> to vector<8x8192xi32>
    %convert_element_type3A_370 = arith.sitofp %convert_element_type3A_369 : vector<8x8192xi32> to vector<8x8192xf32>
    %add3A_371 = arith.addf %add3A_364, %convert_element_type3A_370 : vector<8x8192xf32>
    %slice3A_372 = vector.extract_strided_slice %get3A_3 {offsets = [424], sizes = [8], strides = [1]} : vector<1024xi32> to vector<8xi32>
    %broadcast_in_dim3A_373 = vector.shape_cast %slice3A_372 : vector<8xi32> to vector<8x1xi32>
    %eq3A_374 = vector.broadcast %broadcast_in_dim3A_373 : vector<8x1xi32> to vector<8x8192xi32>
    %eq3A_375 = arith.cmpi eq, %eq3A_374, %iota3A : vector<8x8192xi32>
    %convert_element_type3A_376 = arith.extui %eq3A_375 : vector<8x8192xi1> to vector<8x8192xi32>
    %convert_element_type3A_377 = arith.sitofp %convert_element_type3A_376 : vector<8x8192xi32> to vector<8x8192xf32>
    %add3A_378 = arith.addf %add3A_371, %convert_element_type3A_377 : vector<8x8192xf32>
    %slice3A_379 = vector.extract_strided_slice %get3A_3 {offsets = [432], sizes = [8], strides = [1]} : vector<1024xi32> to vector<8xi32>
    %broadcast_in_dim3A_380 = vector.shape_cast %slice3A_379 : vector<8xi32> to vector<8x1xi32>
    %eq3A_381 = vector.broadcast %broadcast_in_dim3A_380 : vector<8x1xi32> to vector<8x8192xi32>
    %eq3A_382 = arith.cmpi eq, %eq3A_381, %iota3A : vector<8x8192xi32>
    %convert_element_type3A_383 = arith.extui %eq3A_382 : vector<8x8192xi1> to vector<8x8192xi32>
    %convert_element_type3A_384 = arith.sitofp %convert_element_type3A_383 : vector<8x8192xi32> to vector<8x8192xf32>
    %add3A_385 = arith.addf %add3A_378, %convert_element_type3A_384 : vector<8x8192xf32>
    %slice3A_386 = vector.extract_strided_slice %get3A_3 {offsets = [440], sizes = [8], strides = [1]} : vector<1024xi32> to vector<8xi32>
    %broadcast_in_dim3A_387 = vector.shape_cast %slice3A_386 : vector<8xi32> to vector<8x1xi32>
    %eq3A_388 = vector.broadcast %broadcast_in_dim3A_387 : vector<8x1xi32> to vector<8x8192xi32>
    %eq3A_389 = arith.cmpi eq, %eq3A_388, %iota3A : vector<8x8192xi32>
    %convert_element_type3A_390 = arith.extui %eq3A_389 : vector<8x8192xi1> to vector<8x8192xi32>
    %convert_element_type3A_391 = arith.sitofp %convert_element_type3A_390 : vector<8x8192xi32> to vector<8x8192xf32>
    %add3A_392 = arith.addf %add3A_385, %convert_element_type3A_391 : vector<8x8192xf32>
    %slice3A_393 = vector.extract_strided_slice %get3A_3 {offsets = [448], sizes = [8], strides = [1]} : vector<1024xi32> to vector<8xi32>
    %broadcast_in_dim3A_394 = vector.shape_cast %slice3A_393 : vector<8xi32> to vector<8x1xi32>
    %eq3A_395 = vector.broadcast %broadcast_in_dim3A_394 : vector<8x1xi32> to vector<8x8192xi32>
    %eq3A_396 = arith.cmpi eq, %eq3A_395, %iota3A : vector<8x8192xi32>
    %convert_element_type3A_397 = arith.extui %eq3A_396 : vector<8x8192xi1> to vector<8x8192xi32>
    %convert_element_type3A_398 = arith.sitofp %convert_element_type3A_397 : vector<8x8192xi32> to vector<8x8192xf32>
    %add3A_399 = arith.addf %add3A_392, %convert_element_type3A_398 : vector<8x8192xf32>
    %slice3A_400 = vector.extract_strided_slice %get3A_3 {offsets = [456], sizes = [8], strides = [1]} : vector<1024xi32> to vector<8xi32>
    %broadcast_in_dim3A_401 = vector.shape_cast %slice3A_400 : vector<8xi32> to vector<8x1xi32>
    %eq3A_402 = vector.broadcast %broadcast_in_dim3A_401 : vector<8x1xi32> to vector<8x8192xi32>
    %eq3A_403 = arith.cmpi eq, %eq3A_402, %iota3A : vector<8x8192xi32>
    %convert_element_type3A_404 = arith.extui %eq3A_403 : vector<8x8192xi1> to vector<8x8192xi32>
    %convert_element_type3A_405 = arith.sitofp %convert_element_type3A_404 : vector<8x8192xi32> to vector<8x8192xf32>
    %add3A_406 = arith.addf %add3A_399, %convert_element_type3A_405 : vector<8x8192xf32>
    %slice3A_407 = vector.extract_strided_slice %get3A_3 {offsets = [464], sizes = [8], strides = [1]} : vector<1024xi32> to vector<8xi32>
    %broadcast_in_dim3A_408 = vector.shape_cast %slice3A_407 : vector<8xi32> to vector<8x1xi32>
    %eq3A_409 = vector.broadcast %broadcast_in_dim3A_408 : vector<8x1xi32> to vector<8x8192xi32>
    %eq3A_410 = arith.cmpi eq, %eq3A_409, %iota3A : vector<8x8192xi32>
    %convert_element_type3A_411 = arith.extui %eq3A_410 : vector<8x8192xi1> to vector<8x8192xi32>
    %convert_element_type3A_412 = arith.sitofp %convert_element_type3A_411 : vector<8x8192xi32> to vector<8x8192xf32>
    %add3A_413 = arith.addf %add3A_406, %convert_element_type3A_412 : vector<8x8192xf32>
    %slice3A_414 = vector.extract_strided_slice %get3A_3 {offsets = [472], sizes = [8], strides = [1]} : vector<1024xi32> to vector<8xi32>
    %broadcast_in_dim3A_415 = vector.shape_cast %slice3A_414 : vector<8xi32> to vector<8x1xi32>
    %eq3A_416 = vector.broadcast %broadcast_in_dim3A_415 : vector<8x1xi32> to vector<8x8192xi32>
    %eq3A_417 = arith.cmpi eq, %eq3A_416, %iota3A : vector<8x8192xi32>
    %convert_element_type3A_418 = arith.extui %eq3A_417 : vector<8x8192xi1> to vector<8x8192xi32>
    %convert_element_type3A_419 = arith.sitofp %convert_element_type3A_418 : vector<8x8192xi32> to vector<8x8192xf32>
    %add3A_420 = arith.addf %add3A_413, %convert_element_type3A_419 : vector<8x8192xf32>
    %slice3A_421 = vector.extract_strided_slice %get3A_3 {offsets = [480], sizes = [8], strides = [1]} : vector<1024xi32> to vector<8xi32>
    %broadcast_in_dim3A_422 = vector.shape_cast %slice3A_421 : vector<8xi32> to vector<8x1xi32>
    %eq3A_423 = vector.broadcast %broadcast_in_dim3A_422 : vector<8x1xi32> to vector<8x8192xi32>
    %eq3A_424 = arith.cmpi eq, %eq3A_423, %iota3A : vector<8x8192xi32>
    %convert_element_type3A_425 = arith.extui %eq3A_424 : vector<8x8192xi1> to vector<8x8192xi32>
    %convert_element_type3A_426 = arith.sitofp %convert_element_type3A_425 : vector<8x8192xi32> to vector<8x8192xf32>
    %add3A_427 = arith.addf %add3A_420, %convert_element_type3A_426 : vector<8x8192xf32>
    %slice3A_428 = vector.extract_strided_slice %get3A_3 {offsets = [488], sizes = [8], strides = [1]} : vector<1024xi32> to vector<8xi32>
    %broadcast_in_dim3A_429 = vector.shape_cast %slice3A_428 : vector<8xi32> to vector<8x1xi32>
    %eq3A_430 = vector.broadcast %broadcast_in_dim3A_429 : vector<8x1xi32> to vector<8x8192xi32>
    %eq3A_431 = arith.cmpi eq, %eq3A_430, %iota3A : vector<8x8192xi32>
    %convert_element_type3A_432 = arith.extui %eq3A_431 : vector<8x8192xi1> to vector<8x8192xi32>
    %convert_element_type3A_433 = arith.sitofp %convert_element_type3A_432 : vector<8x8192xi32> to vector<8x8192xf32>
    %add3A_434 = arith.addf %add3A_427, %convert_element_type3A_433 : vector<8x8192xf32>
    %slice3A_435 = vector.extract_strided_slice %get3A_3 {offsets = [496], sizes = [8], strides = [1]} : vector<1024xi32> to vector<8xi32>
    %broadcast_in_dim3A_436 = vector.shape_cast %slice3A_435 : vector<8xi32> to vector<8x1xi32>
    %eq3A_437 = vector.broadcast %broadcast_in_dim3A_436 : vector<8x1xi32> to vector<8x8192xi32>
    %eq3A_438 = arith.cmpi eq, %eq3A_437, %iota3A : vector<8x8192xi32>
    %convert_element_type3A_439 = arith.extui %eq3A_438 : vector<8x8192xi1> to vector<8x8192xi32>
    %convert_element_type3A_440 = arith.sitofp %convert_element_type3A_439 : vector<8x8192xi32> to vector<8x8192xf32>
    %add3A_441 = arith.addf %add3A_434, %convert_element_type3A_440 : vector<8x8192xf32>
    %slice3A_442 = vector.extract_strided_slice %get3A_3 {offsets = [504], sizes = [8], strides = [1]} : vector<1024xi32> to vector<8xi32>
    %broadcast_in_dim3A_443 = vector.shape_cast %slice3A_442 : vector<8xi32> to vector<8x1xi32>
    %eq3A_444 = vector.broadcast %broadcast_in_dim3A_443 : vector<8x1xi32> to vector<8x8192xi32>
    %eq3A_445 = arith.cmpi eq, %eq3A_444, %iota3A : vector<8x8192xi32>
    %convert_element_type3A_446 = arith.extui %eq3A_445 : vector<8x8192xi1> to vector<8x8192xi32>
    %convert_element_type3A_447 = arith.sitofp %convert_element_type3A_446 : vector<8x8192xi32> to vector<8x8192xf32>
    %add3A_448 = arith.addf %add3A_441, %convert_element_type3A_447 : vector<8x8192xf32>
    %slice3A_449 = vector.extract_strided_slice %get3A_3 {offsets = [512], sizes = [8], strides = [1]} : vector<1024xi32> to vector<8xi32>
    %broadcast_in_dim3A_450 = vector.shape_cast %slice3A_449 : vector<8xi32> to vector<8x1xi32>
    %eq3A_451 = vector.broadcast %broadcast_in_dim3A_450 : vector<8x1xi32> to vector<8x8192xi32>
    %eq3A_452 = arith.cmpi eq, %eq3A_451, %iota3A : vector<8x8192xi32>
    %convert_element_type3A_453 = arith.extui %eq3A_452 : vector<8x8192xi1> to vector<8x8192xi32>
    %convert_element_type3A_454 = arith.sitofp %convert_element_type3A_453 : vector<8x8192xi32> to vector<8x8192xf32>
    %add3A_455 = arith.addf %add3A_448, %convert_element_type3A_454 : vector<8x8192xf32>
    %slice3A_456 = vector.extract_strided_slice %get3A_3 {offsets = [520], sizes = [8], strides = [1]} : vector<1024xi32> to vector<8xi32>
    %broadcast_in_dim3A_457 = vector.shape_cast %slice3A_456 : vector<8xi32> to vector<8x1xi32>
    %eq3A_458 = vector.broadcast %broadcast_in_dim3A_457 : vector<8x1xi32> to vector<8x8192xi32>
    %eq3A_459 = arith.cmpi eq, %eq3A_458, %iota3A : vector<8x8192xi32>
    %convert_element_type3A_460 = arith.extui %eq3A_459 : vector<8x8192xi1> to vector<8x8192xi32>
    %convert_element_type3A_461 = arith.sitofp %convert_element_type3A_460 : vector<8x8192xi32> to vector<8x8192xf32>
    %add3A_462 = arith.addf %add3A_455, %convert_element_type3A_461 : vector<8x8192xf32>
    %slice3A_463 = vector.extract_strided_slice %get3A_3 {offsets = [528], sizes = [8], strides = [1]} : vector<1024xi32> to vector<8xi32>
    %broadcast_in_dim3A_464 = vector.shape_cast %slice3A_463 : vector<8xi32> to vector<8x1xi32>
    %eq3A_465 = vector.broadcast %broadcast_in_dim3A_464 : vector<8x1xi32> to vector<8x8192xi32>
    %eq3A_466 = arith.cmpi eq, %eq3A_465, %iota3A : vector<8x8192xi32>
    %convert_element_type3A_467 = arith.extui %eq3A_466 : vector<8x8192xi1> to vector<8x8192xi32>
    %convert_element_type3A_468 = arith.sitofp %convert_element_type3A_467 : vector<8x8192xi32> to vector<8x8192xf32>
    %add3A_469 = arith.addf %add3A_462, %convert_element_type3A_468 : vector<8x8192xf32>
    %slice3A_470 = vector.extract_strided_slice %get3A_3 {offsets = [536], sizes = [8], strides = [1]} : vector<1024xi32> to vector<8xi32>
    %broadcast_in_dim3A_471 = vector.shape_cast %slice3A_470 : vector<8xi32> to vector<8x1xi32>
    %eq3A_472 = vector.broadcast %broadcast_in_dim3A_471 : vector<8x1xi32> to vector<8x8192xi32>
    %eq3A_473 = arith.cmpi eq, %eq3A_472, %iota3A : vector<8x8192xi32>
    %convert_element_type3A_474 = arith.extui %eq3A_473 : vector<8x8192xi1> to vector<8x8192xi32>
    %convert_element_type3A_475 = arith.sitofp %convert_element_type3A_474 : vector<8x8192xi32> to vector<8x8192xf32>
    %add3A_476 = arith.addf %add3A_469, %convert_element_type3A_475 : vector<8x8192xf32>
    %slice3A_477 = vector.extract_strided_slice %get3A_3 {offsets = [544], sizes = [8], strides = [1]} : vector<1024xi32> to vector<8xi32>
    %broadcast_in_dim3A_478 = vector.shape_cast %slice3A_477 : vector<8xi32> to vector<8x1xi32>
    %eq3A_479 = vector.broadcast %broadcast_in_dim3A_478 : vector<8x1xi32> to vector<8x8192xi32>
    %eq3A_480 = arith.cmpi eq, %eq3A_479, %iota3A : vector<8x8192xi32>
    %convert_element_type3A_481 = arith.extui %eq3A_480 : vector<8x8192xi1> to vector<8x8192xi32>
    %convert_element_type3A_482 = arith.sitofp %convert_element_type3A_481 : vector<8x8192xi32> to vector<8x8192xf32>
    %add3A_483 = arith.addf %add3A_476, %convert_element_type3A_482 : vector<8x8192xf32>
    %slice3A_484 = vector.extract_strided_slice %get3A_3 {offsets = [552], sizes = [8], strides = [1]} : vector<1024xi32> to vector<8xi32>
    %broadcast_in_dim3A_485 = vector.shape_cast %slice3A_484 : vector<8xi32> to vector<8x1xi32>
    %eq3A_486 = vector.broadcast %broadcast_in_dim3A_485 : vector<8x1xi32> to vector<8x8192xi32>
    %eq3A_487 = arith.cmpi eq, %eq3A_486, %iota3A : vector<8x8192xi32>
    %convert_element_type3A_488 = arith.extui %eq3A_487 : vector<8x8192xi1> to vector<8x8192xi32>
    %convert_element_type3A_489 = arith.sitofp %convert_element_type3A_488 : vector<8x8192xi32> to vector<8x8192xf32>
    %add3A_490 = arith.addf %add3A_483, %convert_element_type3A_489 : vector<8x8192xf32>
    %slice3A_491 = vector.extract_strided_slice %get3A_3 {offsets = [560], sizes = [8], strides = [1]} : vector<1024xi32> to vector<8xi32>
    %broadcast_in_dim3A_492 = vector.shape_cast %slice3A_491 : vector<8xi32> to vector<8x1xi32>
    %eq3A_493 = vector.broadcast %broadcast_in_dim3A_492 : vector<8x1xi32> to vector<8x8192xi32>
    %eq3A_494 = arith.cmpi eq, %eq3A_493, %iota3A : vector<8x8192xi32>
    %convert_element_type3A_495 = arith.extui %eq3A_494 : vector<8x8192xi1> to vector<8x8192xi32>
    %convert_element_type3A_496 = arith.sitofp %convert_element_type3A_495 : vector<8x8192xi32> to vector<8x8192xf32>
    %add3A_497 = arith.addf %add3A_490, %convert_element_type3A_496 : vector<8x8192xf32>
    %slice3A_498 = vector.extract_strided_slice %get3A_3 {offsets = [568], sizes = [8], strides = [1]} : vector<1024xi32> to vector<8xi32>
    %broadcast_in_dim3A_499 = vector.shape_cast %slice3A_498 : vector<8xi32> to vector<8x1xi32>
    %eq3A_500 = vector.broadcast %broadcast_in_dim3A_499 : vector<8x1xi32> to vector<8x8192xi32>
    %eq3A_501 = arith.cmpi eq, %eq3A_500, %iota3A : vector<8x8192xi32>
    %convert_element_type3A_502 = arith.extui %eq3A_501 : vector<8x8192xi1> to vector<8x8192xi32>
    %convert_element_type3A_503 = arith.sitofp %convert_element_type3A_502 : vector<8x8192xi32> to vector<8x8192xf32>
    %add3A_504 = arith.addf %add3A_497, %convert_element_type3A_503 : vector<8x8192xf32>
    %slice3A_505 = vector.extract_strided_slice %get3A_3 {offsets = [576], sizes = [8], strides = [1]} : vector<1024xi32> to vector<8xi32>
    %broadcast_in_dim3A_506 = vector.shape_cast %slice3A_505 : vector<8xi32> to vector<8x1xi32>
    %eq3A_507 = vector.broadcast %broadcast_in_dim3A_506 : vector<8x1xi32> to vector<8x8192xi32>
    %eq3A_508 = arith.cmpi eq, %eq3A_507, %iota3A : vector<8x8192xi32>
    %convert_element_type3A_509 = arith.extui %eq3A_508 : vector<8x8192xi1> to vector<8x8192xi32>
    %convert_element_type3A_510 = arith.sitofp %convert_element_type3A_509 : vector<8x8192xi32> to vector<8x8192xf32>
    %add3A_511 = arith.addf %add3A_504, %convert_element_type3A_510 : vector<8x8192xf32>
    %slice3A_512 = vector.extract_strided_slice %get3A_3 {offsets = [584], sizes = [8], strides = [1]} : vector<1024xi32> to vector<8xi32>
    %broadcast_in_dim3A_513 = vector.shape_cast %slice3A_512 : vector<8xi32> to vector<8x1xi32>
    %eq3A_514 = vector.broadcast %broadcast_in_dim3A_513 : vector<8x1xi32> to vector<8x8192xi32>
    %eq3A_515 = arith.cmpi eq, %eq3A_514, %iota3A : vector<8x8192xi32>
    %convert_element_type3A_516 = arith.extui %eq3A_515 : vector<8x8192xi1> to vector<8x8192xi32>
    %convert_element_type3A_517 = arith.sitofp %convert_element_type3A_516 : vector<8x8192xi32> to vector<8x8192xf32>
    %add3A_518 = arith.addf %add3A_511, %convert_element_type3A_517 : vector<8x8192xf32>
    %slice3A_519 = vector.extract_strided_slice %get3A_3 {offsets = [592], sizes = [8], strides = [1]} : vector<1024xi32> to vector<8xi32>
    %broadcast_in_dim3A_520 = vector.shape_cast %slice3A_519 : vector<8xi32> to vector<8x1xi32>
    %eq3A_521 = vector.broadcast %broadcast_in_dim3A_520 : vector<8x1xi32> to vector<8x8192xi32>
    %eq3A_522 = arith.cmpi eq, %eq3A_521, %iota3A : vector<8x8192xi32>
    %convert_element_type3A_523 = arith.extui %eq3A_522 : vector<8x8192xi1> to vector<8x8192xi32>
    %convert_element_type3A_524 = arith.sitofp %convert_element_type3A_523 : vector<8x8192xi32> to vector<8x8192xf32>
    %add3A_525 = arith.addf %add3A_518, %convert_element_type3A_524 : vector<8x8192xf32>
    %slice3A_526 = vector.extract_strided_slice %get3A_3 {offsets = [600], sizes = [8], strides = [1]} : vector<1024xi32> to vector<8xi32>
    %broadcast_in_dim3A_527 = vector.shape_cast %slice3A_526 : vector<8xi32> to vector<8x1xi32>
    %eq3A_528 = vector.broadcast %broadcast_in_dim3A_527 : vector<8x1xi32> to vector<8x8192xi32>
    %eq3A_529 = arith.cmpi eq, %eq3A_528, %iota3A : vector<8x8192xi32>
    %convert_element_type3A_530 = arith.extui %eq3A_529 : vector<8x8192xi1> to vector<8x8192xi32>
    %convert_element_type3A_531 = arith.sitofp %convert_element_type3A_530 : vector<8x8192xi32> to vector<8x8192xf32>
    %add3A_532 = arith.addf %add3A_525, %convert_element_type3A_531 : vector<8x8192xf32>
    %slice3A_533 = vector.extract_strided_slice %get3A_3 {offsets = [608], sizes = [8], strides = [1]} : vector<1024xi32> to vector<8xi32>
    %broadcast_in_dim3A_534 = vector.shape_cast %slice3A_533 : vector<8xi32> to vector<8x1xi32>
    %eq3A_535 = vector.broadcast %broadcast_in_dim3A_534 : vector<8x1xi32> to vector<8x8192xi32>
    %eq3A_536 = arith.cmpi eq, %eq3A_535, %iota3A : vector<8x8192xi32>
    %convert_element_type3A_537 = arith.extui %eq3A_536 : vector<8x8192xi1> to vector<8x8192xi32>
    %convert_element_type3A_538 = arith.sitofp %convert_element_type3A_537 : vector<8x8192xi32> to vector<8x8192xf32>
    %add3A_539 = arith.addf %add3A_532, %convert_element_type3A_538 : vector<8x8192xf32>
    %slice3A_540 = vector.extract_strided_slice %get3A_3 {offsets = [616], sizes = [8], strides = [1]} : vector<1024xi32> to vector<8xi32>
    %broadcast_in_dim3A_541 = vector.shape_cast %slice3A_540 : vector<8xi32> to vector<8x1xi32>
    %eq3A_542 = vector.broadcast %broadcast_in_dim3A_541 : vector<8x1xi32> to vector<8x8192xi32>
    %eq3A_543 = arith.cmpi eq, %eq3A_542, %iota3A : vector<8x8192xi32>
    %convert_element_type3A_544 = arith.extui %eq3A_543 : vector<8x8192xi1> to vector<8x8192xi32>
    %convert_element_type3A_545 = arith.sitofp %convert_element_type3A_544 : vector<8x8192xi32> to vector<8x8192xf32>
    %add3A_546 = arith.addf %add3A_539, %convert_element_type3A_545 : vector<8x8192xf32>
    %slice3A_547 = vector.extract_strided_slice %get3A_3 {offsets = [624], sizes = [8], strides = [1]} : vector<1024xi32> to vector<8xi32>
    %broadcast_in_dim3A_548 = vector.shape_cast %slice3A_547 : vector<8xi32> to vector<8x1xi32>
    %eq3A_549 = vector.broadcast %broadcast_in_dim3A_548 : vector<8x1xi32> to vector<8x8192xi32>
    %eq3A_550 = arith.cmpi eq, %eq3A_549, %iota3A : vector<8x8192xi32>
    %convert_element_type3A_551 = arith.extui %eq3A_550 : vector<8x8192xi1> to vector<8x8192xi32>
    %convert_element_type3A_552 = arith.sitofp %convert_element_type3A_551 : vector<8x8192xi32> to vector<8x8192xf32>
    %add3A_553 = arith.addf %add3A_546, %convert_element_type3A_552 : vector<8x8192xf32>
    %slice3A_554 = vector.extract_strided_slice %get3A_3 {offsets = [632], sizes = [8], strides = [1]} : vector<1024xi32> to vector<8xi32>
    %broadcast_in_dim3A_555 = vector.shape_cast %slice3A_554 : vector<8xi32> to vector<8x1xi32>
    %eq3A_556 = vector.broadcast %broadcast_in_dim3A_555 : vector<8x1xi32> to vector<8x8192xi32>
    %eq3A_557 = arith.cmpi eq, %eq3A_556, %iota3A : vector<8x8192xi32>
    %convert_element_type3A_558 = arith.extui %eq3A_557 : vector<8x8192xi1> to vector<8x8192xi32>
    %convert_element_type3A_559 = arith.sitofp %convert_element_type3A_558 : vector<8x8192xi32> to vector<8x8192xf32>
    %add3A_560 = arith.addf %add3A_553, %convert_element_type3A_559 : vector<8x8192xf32>
    %slice3A_561 = vector.extract_strided_slice %get3A_3 {offsets = [640], sizes = [8], strides = [1]} : vector<1024xi32> to vector<8xi32>
    %broadcast_in_dim3A_562 = vector.shape_cast %slice3A_561 : vector<8xi32> to vector<8x1xi32>
    %eq3A_563 = vector.broadcast %broadcast_in_dim3A_562 : vector<8x1xi32> to vector<8x8192xi32>
    %eq3A_564 = arith.cmpi eq, %eq3A_563, %iota3A : vector<8x8192xi32>
    %convert_element_type3A_565 = arith.extui %eq3A_564 : vector<8x8192xi1> to vector<8x8192xi32>
    %convert_element_type3A_566 = arith.sitofp %convert_element_type3A_565 : vector<8x8192xi32> to vector<8x8192xf32>
    %add3A_567 = arith.addf %add3A_560, %convert_element_type3A_566 : vector<8x8192xf32>
    %slice3A_568 = vector.extract_strided_slice %get3A_3 {offsets = [648], sizes = [8], strides = [1]} : vector<1024xi32> to vector<8xi32>
    %broadcast_in_dim3A_569 = vector.shape_cast %slice3A_568 : vector<8xi32> to vector<8x1xi32>
    %eq3A_570 = vector.broadcast %broadcast_in_dim3A_569 : vector<8x1xi32> to vector<8x8192xi32>
    %eq3A_571 = arith.cmpi eq, %eq3A_570, %iota3A : vector<8x8192xi32>
    %convert_element_type3A_572 = arith.extui %eq3A_571 : vector<8x8192xi1> to vector<8x8192xi32>
    %convert_element_type3A_573 = arith.sitofp %convert_element_type3A_572 : vector<8x8192xi32> to vector<8x8192xf32>
    %add3A_574 = arith.addf %add3A_567, %convert_element_type3A_573 : vector<8x8192xf32>
    %slice3A_575 = vector.extract_strided_slice %get3A_3 {offsets = [656], sizes = [8], strides = [1]} : vector<1024xi32> to vector<8xi32>
    %broadcast_in_dim3A_576 = vector.shape_cast %slice3A_575 : vector<8xi32> to vector<8x1xi32>
    %eq3A_577 = vector.broadcast %broadcast_in_dim3A_576 : vector<8x1xi32> to vector<8x8192xi32>
    %eq3A_578 = arith.cmpi eq, %eq3A_577, %iota3A : vector<8x8192xi32>
    %convert_element_type3A_579 = arith.extui %eq3A_578 : vector<8x8192xi1> to vector<8x8192xi32>
    %convert_element_type3A_580 = arith.sitofp %convert_element_type3A_579 : vector<8x8192xi32> to vector<8x8192xf32>
    %add3A_581 = arith.addf %add3A_574, %convert_element_type3A_580 : vector<8x8192xf32>
    %slice3A_582 = vector.extract_strided_slice %get3A_3 {offsets = [664], sizes = [8], strides = [1]} : vector<1024xi32> to vector<8xi32>
    %broadcast_in_dim3A_583 = vector.shape_cast %slice3A_582 : vector<8xi32> to vector<8x1xi32>
    %eq3A_584 = vector.broadcast %broadcast_in_dim3A_583 : vector<8x1xi32> to vector<8x8192xi32>
    %eq3A_585 = arith.cmpi eq, %eq3A_584, %iota3A : vector<8x8192xi32>
    %convert_element_type3A_586 = arith.extui %eq3A_585 : vector<8x8192xi1> to vector<8x8192xi32>
    %convert_element_type3A_587 = arith.sitofp %convert_element_type3A_586 : vector<8x8192xi32> to vector<8x8192xf32>
    %add3A_588 = arith.addf %add3A_581, %convert_element_type3A_587 : vector<8x8192xf32>
    %slice3A_589 = vector.extract_strided_slice %get3A_3 {offsets = [672], sizes = [8], strides = [1]} : vector<1024xi32> to vector<8xi32>
    %broadcast_in_dim3A_590 = vector.shape_cast %slice3A_589 : vector<8xi32> to vector<8x1xi32>
    %eq3A_591 = vector.broadcast %broadcast_in_dim3A_590 : vector<8x1xi32> to vector<8x8192xi32>
    %eq3A_592 = arith.cmpi eq, %eq3A_591, %iota3A : vector<8x8192xi32>
    %convert_element_type3A_593 = arith.extui %eq3A_592 : vector<8x8192xi1> to vector<8x8192xi32>
    %convert_element_type3A_594 = arith.sitofp %convert_element_type3A_593 : vector<8x8192xi32> to vector<8x8192xf32>
    %add3A_595 = arith.addf %add3A_588, %convert_element_type3A_594 : vector<8x8192xf32>
    %slice3A_596 = vector.extract_strided_slice %get3A_3 {offsets = [680], sizes = [8], strides = [1]} : vector<1024xi32> to vector<8xi32>
    %broadcast_in_dim3A_597 = vector.shape_cast %slice3A_596 : vector<8xi32> to vector<8x1xi32>
    %eq3A_598 = vector.broadcast %broadcast_in_dim3A_597 : vector<8x1xi32> to vector<8x8192xi32>
    %eq3A_599 = arith.cmpi eq, %eq3A_598, %iota3A : vector<8x8192xi32>
    %convert_element_type3A_600 = arith.extui %eq3A_599 : vector<8x8192xi1> to vector<8x8192xi32>
    %convert_element_type3A_601 = arith.sitofp %convert_element_type3A_600 : vector<8x8192xi32> to vector<8x8192xf32>
    %add3A_602 = arith.addf %add3A_595, %convert_element_type3A_601 : vector<8x8192xf32>
    %slice3A_603 = vector.extract_strided_slice %get3A_3 {offsets = [688], sizes = [8], strides = [1]} : vector<1024xi32> to vector<8xi32>
    %broadcast_in_dim3A_604 = vector.shape_cast %slice3A_603 : vector<8xi32> to vector<8x1xi32>
    %eq3A_605 = vector.broadcast %broadcast_in_dim3A_604 : vector<8x1xi32> to vector<8x8192xi32>
    %eq3A_606 = arith.cmpi eq, %eq3A_605, %iota3A : vector<8x8192xi32>
    %convert_element_type3A_607 = arith.extui %eq3A_606 : vector<8x8192xi1> to vector<8x8192xi32>
    %convert_element_type3A_608 = arith.sitofp %convert_element_type3A_607 : vector<8x8192xi32> to vector<8x8192xf32>
    %add3A_609 = arith.addf %add3A_602, %convert_element_type3A_608 : vector<8x8192xf32>
    %slice3A_610 = vector.extract_strided_slice %get3A_3 {offsets = [696], sizes = [8], strides = [1]} : vector<1024xi32> to vector<8xi32>
    %broadcast_in_dim3A_611 = vector.shape_cast %slice3A_610 : vector<8xi32> to vector<8x1xi32>
    %eq3A_612 = vector.broadcast %broadcast_in_dim3A_611 : vector<8x1xi32> to vector<8x8192xi32>
    %eq3A_613 = arith.cmpi eq, %eq3A_612, %iota3A : vector<8x8192xi32>
    %convert_element_type3A_614 = arith.extui %eq3A_613 : vector<8x8192xi1> to vector<8x8192xi32>
    %convert_element_type3A_615 = arith.sitofp %convert_element_type3A_614 : vector<8x8192xi32> to vector<8x8192xf32>
    %add3A_616 = arith.addf %add3A_609, %convert_element_type3A_615 : vector<8x8192xf32>
    %slice3A_617 = vector.extract_strided_slice %get3A_3 {offsets = [704], sizes = [8], strides = [1]} : vector<1024xi32> to vector<8xi32>
    %broadcast_in_dim3A_618 = vector.shape_cast %slice3A_617 : vector<8xi32> to vector<8x1xi32>
    %eq3A_619 = vector.broadcast %broadcast_in_dim3A_618 : vector<8x1xi32> to vector<8x8192xi32>
    %eq3A_620 = arith.cmpi eq, %eq3A_619, %iota3A : vector<8x8192xi32>
    %convert_element_type3A_621 = arith.extui %eq3A_620 : vector<8x8192xi1> to vector<8x8192xi32>
    %convert_element_type3A_622 = arith.sitofp %convert_element_type3A_621 : vector<8x8192xi32> to vector<8x8192xf32>
    %add3A_623 = arith.addf %add3A_616, %convert_element_type3A_622 : vector<8x8192xf32>
    %slice3A_624 = vector.extract_strided_slice %get3A_3 {offsets = [712], sizes = [8], strides = [1]} : vector<1024xi32> to vector<8xi32>
    %broadcast_in_dim3A_625 = vector.shape_cast %slice3A_624 : vector<8xi32> to vector<8x1xi32>
    %eq3A_626 = vector.broadcast %broadcast_in_dim3A_625 : vector<8x1xi32> to vector<8x8192xi32>
    %eq3A_627 = arith.cmpi eq, %eq3A_626, %iota3A : vector<8x8192xi32>
    %convert_element_type3A_628 = arith.extui %eq3A_627 : vector<8x8192xi1> to vector<8x8192xi32>
    %convert_element_type3A_629 = arith.sitofp %convert_element_type3A_628 : vector<8x8192xi32> to vector<8x8192xf32>
    %add3A_630 = arith.addf %add3A_623, %convert_element_type3A_629 : vector<8x8192xf32>
    %slice3A_631 = vector.extract_strided_slice %get3A_3 {offsets = [720], sizes = [8], strides = [1]} : vector<1024xi32> to vector<8xi32>
    %broadcast_in_dim3A_632 = vector.shape_cast %slice3A_631 : vector<8xi32> to vector<8x1xi32>
    %eq3A_633 = vector.broadcast %broadcast_in_dim3A_632 : vector<8x1xi32> to vector<8x8192xi32>
    %eq3A_634 = arith.cmpi eq, %eq3A_633, %iota3A : vector<8x8192xi32>
    %convert_element_type3A_635 = arith.extui %eq3A_634 : vector<8x8192xi1> to vector<8x8192xi32>
    %convert_element_type3A_636 = arith.sitofp %convert_element_type3A_635 : vector<8x8192xi32> to vector<8x8192xf32>
    %add3A_637 = arith.addf %add3A_630, %convert_element_type3A_636 : vector<8x8192xf32>
    %slice3A_638 = vector.extract_strided_slice %get3A_3 {offsets = [728], sizes = [8], strides = [1]} : vector<1024xi32> to vector<8xi32>
    %broadcast_in_dim3A_639 = vector.shape_cast %slice3A_638 : vector<8xi32> to vector<8x1xi32>
    %eq3A_640 = vector.broadcast %broadcast_in_dim3A_639 : vector<8x1xi32> to vector<8x8192xi32>
    %eq3A_641 = arith.cmpi eq, %eq3A_640, %iota3A : vector<8x8192xi32>
    %convert_element_type3A_642 = arith.extui %eq3A_641 : vector<8x8192xi1> to vector<8x8192xi32>
    %convert_element_type3A_643 = arith.sitofp %convert_element_type3A_642 : vector<8x8192xi32> to vector<8x8192xf32>
    %add3A_644 = arith.addf %add3A_637, %convert_element_type3A_643 : vector<8x8192xf32>
    %slice3A_645 = vector.extract_strided_slice %get3A_3 {offsets = [736], sizes = [8], strides = [1]} : vector<1024xi32> to vector<8xi32>
    %broadcast_in_dim3A_646 = vector.shape_cast %slice3A_645 : vector<8xi32> to vector<8x1xi32>
    %eq3A_647 = vector.broadcast %broadcast_in_dim3A_646 : vector<8x1xi32> to vector<8x8192xi32>
    %eq3A_648 = arith.cmpi eq, %eq3A_647, %iota3A : vector<8x8192xi32>
    %convert_element_type3A_649 = arith.extui %eq3A_648 : vector<8x8192xi1> to vector<8x8192xi32>
    %convert_element_type3A_650 = arith.sitofp %convert_element_type3A_649 : vector<8x8192xi32> to vector<8x8192xf32>
    %add3A_651 = arith.addf %add3A_644, %convert_element_type3A_650 : vector<8x8192xf32>
    %slice3A_652 = vector.extract_strided_slice %get3A_3 {offsets = [744], sizes = [8], strides = [1]} : vector<1024xi32> to vector<8xi32>
    %broadcast_in_dim3A_653 = vector.shape_cast %slice3A_652 : vector<8xi32> to vector<8x1xi32>
    %eq3A_654 = vector.broadcast %broadcast_in_dim3A_653 : vector<8x1xi32> to vector<8x8192xi32>
    %eq3A_655 = arith.cmpi eq, %eq3A_654, %iota3A : vector<8x8192xi32>
    %convert_element_type3A_656 = arith.extui %eq3A_655 : vector<8x8192xi1> to vector<8x8192xi32>
    %convert_element_type3A_657 = arith.sitofp %convert_element_type3A_656 : vector<8x8192xi32> to vector<8x8192xf32>
    %add3A_658 = arith.addf %add3A_651, %convert_element_type3A_657 : vector<8x8192xf32>
    %slice3A_659 = vector.extract_strided_slice %get3A_3 {offsets = [752], sizes = [8], strides = [1]} : vector<1024xi32> to vector<8xi32>
    %broadcast_in_dim3A_660 = vector.shape_cast %slice3A_659 : vector<8xi32> to vector<8x1xi32>
    %eq3A_661 = vector.broadcast %broadcast_in_dim3A_660 : vector<8x1xi32> to vector<8x8192xi32>
    %eq3A_662 = arith.cmpi eq, %eq3A_661, %iota3A : vector<8x8192xi32>
    %convert_element_type3A_663 = arith.extui %eq3A_662 : vector<8x8192xi1> to vector<8x8192xi32>
    %convert_element_type3A_664 = arith.sitofp %convert_element_type3A_663 : vector<8x8192xi32> to vector<8x8192xf32>
    %add3A_665 = arith.addf %add3A_658, %convert_element_type3A_664 : vector<8x8192xf32>
    %slice3A_666 = vector.extract_strided_slice %get3A_3 {offsets = [760], sizes = [8], strides = [1]} : vector<1024xi32> to vector<8xi32>
    %broadcast_in_dim3A_667 = vector.shape_cast %slice3A_666 : vector<8xi32> to vector<8x1xi32>
    %eq3A_668 = vector.broadcast %broadcast_in_dim3A_667 : vector<8x1xi32> to vector<8x8192xi32>
    %eq3A_669 = arith.cmpi eq, %eq3A_668, %iota3A : vector<8x8192xi32>
    %convert_element_type3A_670 = arith.extui %eq3A_669 : vector<8x8192xi1> to vector<8x8192xi32>
    %convert_element_type3A_671 = arith.sitofp %convert_element_type3A_670 : vector<8x8192xi32> to vector<8x8192xf32>
    %add3A_672 = arith.addf %add3A_665, %convert_element_type3A_671 : vector<8x8192xf32>
    %slice3A_673 = vector.extract_strided_slice %get3A_3 {offsets = [768], sizes = [8], strides = [1]} : vector<1024xi32> to vector<8xi32>
    %broadcast_in_dim3A_674 = vector.shape_cast %slice3A_673 : vector<8xi32> to vector<8x1xi32>
    %eq3A_675 = vector.broadcast %broadcast_in_dim3A_674 : vector<8x1xi32> to vector<8x8192xi32>
    %eq3A_676 = arith.cmpi eq, %eq3A_675, %iota3A : vector<8x8192xi32>
    %convert_element_type3A_677 = arith.extui %eq3A_676 : vector<8x8192xi1> to vector<8x8192xi32>
    %convert_element_type3A_678 = arith.sitofp %convert_element_type3A_677 : vector<8x8192xi32> to vector<8x8192xf32>
    %add3A_679 = arith.addf %add3A_672, %convert_element_type3A_678 : vector<8x8192xf32>
    %slice3A_680 = vector.extract_strided_slice %get3A_3 {offsets = [776], sizes = [8], strides = [1]} : vector<1024xi32> to vector<8xi32>
    %broadcast_in_dim3A_681 = vector.shape_cast %slice3A_680 : vector<8xi32> to vector<8x1xi32>
    %eq3A_682 = vector.broadcast %broadcast_in_dim3A_681 : vector<8x1xi32> to vector<8x8192xi32>
    %eq3A_683 = arith.cmpi eq, %eq3A_682, %iota3A : vector<8x8192xi32>
    %convert_element_type3A_684 = arith.extui %eq3A_683 : vector<8x8192xi1> to vector<8x8192xi32>
    %convert_element_type3A_685 = arith.sitofp %convert_element_type3A_684 : vector<8x8192xi32> to vector<8x8192xf32>
    %add3A_686 = arith.addf %add3A_679, %convert_element_type3A_685 : vector<8x8192xf32>
    %slice3A_687 = vector.extract_strided_slice %get3A_3 {offsets = [784], sizes = [8], strides = [1]} : vector<1024xi32> to vector<8xi32>
    %broadcast_in_dim3A_688 = vector.shape_cast %slice3A_687 : vector<8xi32> to vector<8x1xi32>
    %eq3A_689 = vector.broadcast %broadcast_in_dim3A_688 : vector<8x1xi32> to vector<8x8192xi32>
    %eq3A_690 = arith.cmpi eq, %eq3A_689, %iota3A : vector<8x8192xi32>
    %convert_element_type3A_691 = arith.extui %eq3A_690 : vector<8x8192xi1> to vector<8x8192xi32>
    %convert_element_type3A_692 = arith.sitofp %convert_element_type3A_691 : vector<8x8192xi32> to vector<8x8192xf32>
    %add3A_693 = arith.addf %add3A_686, %convert_element_type3A_692 : vector<8x8192xf32>
    %slice3A_694 = vector.extract_strided_slice %get3A_3 {offsets = [792], sizes = [8], strides = [1]} : vector<1024xi32> to vector<8xi32>
    %broadcast_in_dim3A_695 = vector.shape_cast %slice3A_694 : vector<8xi32> to vector<8x1xi32>
    %eq3A_696 = vector.broadcast %broadcast_in_dim3A_695 : vector<8x1xi32> to vector<8x8192xi32>
    %eq3A_697 = arith.cmpi eq, %eq3A_696, %iota3A : vector<8x8192xi32>
    %convert_element_type3A_698 = arith.extui %eq3A_697 : vector<8x8192xi1> to vector<8x8192xi32>
    %convert_element_type3A_699 = arith.sitofp %convert_element_type3A_698 : vector<8x8192xi32> to vector<8x8192xf32>
    %add3A_700 = arith.addf %add3A_693, %convert_element_type3A_699 : vector<8x8192xf32>
    %slice3A_701 = vector.extract_strided_slice %get3A_3 {offsets = [800], sizes = [8], strides = [1]} : vector<1024xi32> to vector<8xi32>
    %broadcast_in_dim3A_702 = vector.shape_cast %slice3A_701 : vector<8xi32> to vector<8x1xi32>
    %eq3A_703 = vector.broadcast %broadcast_in_dim3A_702 : vector<8x1xi32> to vector<8x8192xi32>
    %eq3A_704 = arith.cmpi eq, %eq3A_703, %iota3A : vector<8x8192xi32>
    %convert_element_type3A_705 = arith.extui %eq3A_704 : vector<8x8192xi1> to vector<8x8192xi32>
    %convert_element_type3A_706 = arith.sitofp %convert_element_type3A_705 : vector<8x8192xi32> to vector<8x8192xf32>
    %add3A_707 = arith.addf %add3A_700, %convert_element_type3A_706 : vector<8x8192xf32>
    %slice3A_708 = vector.extract_strided_slice %get3A_3 {offsets = [808], sizes = [8], strides = [1]} : vector<1024xi32> to vector<8xi32>
    %broadcast_in_dim3A_709 = vector.shape_cast %slice3A_708 : vector<8xi32> to vector<8x1xi32>
    %eq3A_710 = vector.broadcast %broadcast_in_dim3A_709 : vector<8x1xi32> to vector<8x8192xi32>
    %eq3A_711 = arith.cmpi eq, %eq3A_710, %iota3A : vector<8x8192xi32>
    %convert_element_type3A_712 = arith.extui %eq3A_711 : vector<8x8192xi1> to vector<8x8192xi32>
    %convert_element_type3A_713 = arith.sitofp %convert_element_type3A_712 : vector<8x8192xi32> to vector<8x8192xf32>
    %add3A_714 = arith.addf %add3A_707, %convert_element_type3A_713 : vector<8x8192xf32>
    %slice3A_715 = vector.extract_strided_slice %get3A_3 {offsets = [816], sizes = [8], strides = [1]} : vector<1024xi32> to vector<8xi32>
    %broadcast_in_dim3A_716 = vector.shape_cast %slice3A_715 : vector<8xi32> to vector<8x1xi32>
    %eq3A_717 = vector.broadcast %broadcast_in_dim3A_716 : vector<8x1xi32> to vector<8x8192xi32>
    %eq3A_718 = arith.cmpi eq, %eq3A_717, %iota3A : vector<8x8192xi32>
    %convert_element_type3A_719 = arith.extui %eq3A_718 : vector<8x8192xi1> to vector<8x8192xi32>
    %convert_element_type3A_720 = arith.sitofp %convert_element_type3A_719 : vector<8x8192xi32> to vector<8x8192xf32>
    %add3A_721 = arith.addf %add3A_714, %convert_element_type3A_720 : vector<8x8192xf32>
    %slice3A_722 = vector.extract_strided_slice %get3A_3 {offsets = [824], sizes = [8], strides = [1]} : vector<1024xi32> to vector<8xi32>
    %broadcast_in_dim3A_723 = vector.shape_cast %slice3A_722 : vector<8xi32> to vector<8x1xi32>
    %eq3A_724 = vector.broadcast %broadcast_in_dim3A_723 : vector<8x1xi32> to vector<8x8192xi32>
    %eq3A_725 = arith.cmpi eq, %eq3A_724, %iota3A : vector<8x8192xi32>
    %convert_element_type3A_726 = arith.extui %eq3A_725 : vector<8x8192xi1> to vector<8x8192xi32>
    %convert_element_type3A_727 = arith.sitofp %convert_element_type3A_726 : vector<8x8192xi32> to vector<8x8192xf32>
    %add3A_728 = arith.addf %add3A_721, %convert_element_type3A_727 : vector<8x8192xf32>
    %slice3A_729 = vector.extract_strided_slice %get3A_3 {offsets = [832], sizes = [8], strides = [1]} : vector<1024xi32> to vector<8xi32>
    %broadcast_in_dim3A_730 = vector.shape_cast %slice3A_729 : vector<8xi32> to vector<8x1xi32>
    %eq3A_731 = vector.broadcast %broadcast_in_dim3A_730 : vector<8x1xi32> to vector<8x8192xi32>
    %eq3A_732 = arith.cmpi eq, %eq3A_731, %iota3A : vector<8x8192xi32>
    %convert_element_type3A_733 = arith.extui %eq3A_732 : vector<8x8192xi1> to vector<8x8192xi32>
    %convert_element_type3A_734 = arith.sitofp %convert_element_type3A_733 : vector<8x8192xi32> to vector<8x8192xf32>
    %add3A_735 = arith.addf %add3A_728, %convert_element_type3A_734 : vector<8x8192xf32>
    %slice3A_736 = vector.extract_strided_slice %get3A_3 {offsets = [840], sizes = [8], strides = [1]} : vector<1024xi32> to vector<8xi32>
    %broadcast_in_dim3A_737 = vector.shape_cast %slice3A_736 : vector<8xi32> to vector<8x1xi32>
    %eq3A_738 = vector.broadcast %broadcast_in_dim3A_737 : vector<8x1xi32> to vector<8x8192xi32>
    %eq3A_739 = arith.cmpi eq, %eq3A_738, %iota3A : vector<8x8192xi32>
    %convert_element_type3A_740 = arith.extui %eq3A_739 : vector<8x8192xi1> to vector<8x8192xi32>
    %convert_element_type3A_741 = arith.sitofp %convert_element_type3A_740 : vector<8x8192xi32> to vector<8x8192xf32>
    %add3A_742 = arith.addf %add3A_735, %convert_element_type3A_741 : vector<8x8192xf32>
    %slice3A_743 = vector.extract_strided_slice %get3A_3 {offsets = [848], sizes = [8], strides = [1]} : vector<1024xi32> to vector<8xi32>
    %broadcast_in_dim3A_744 = vector.shape_cast %slice3A_743 : vector<8xi32> to vector<8x1xi32>
    %eq3A_745 = vector.broadcast %broadcast_in_dim3A_744 : vector<8x1xi32> to vector<8x8192xi32>
    %eq3A_746 = arith.cmpi eq, %eq3A_745, %iota3A : vector<8x8192xi32>
    %convert_element_type3A_747 = arith.extui %eq3A_746 : vector<8x8192xi1> to vector<8x8192xi32>
    %convert_element_type3A_748 = arith.sitofp %convert_element_type3A_747 : vector<8x8192xi32> to vector<8x8192xf32>
    %add3A_749 = arith.addf %add3A_742, %convert_element_type3A_748 : vector<8x8192xf32>
    %slice3A_750 = vector.extract_strided_slice %get3A_3 {offsets = [856], sizes = [8], strides = [1]} : vector<1024xi32> to vector<8xi32>
    %broadcast_in_dim3A_751 = vector.shape_cast %slice3A_750 : vector<8xi32> to vector<8x1xi32>
    %eq3A_752 = vector.broadcast %broadcast_in_dim3A_751 : vector<8x1xi32> to vector<8x8192xi32>
    %eq3A_753 = arith.cmpi eq, %eq3A_752, %iota3A : vector<8x8192xi32>
    %convert_element_type3A_754 = arith.extui %eq3A_753 : vector<8x8192xi1> to vector<8x8192xi32>
    %convert_element_type3A_755 = arith.sitofp %convert_element_type3A_754 : vector<8x8192xi32> to vector<8x8192xf32>
    %add3A_756 = arith.addf %add3A_749, %convert_element_type3A_755 : vector<8x8192xf32>
    %slice3A_757 = vector.extract_strided_slice %get3A_3 {offsets = [864], sizes = [8], strides = [1]} : vector<1024xi32> to vector<8xi32>
    %broadcast_in_dim3A_758 = vector.shape_cast %slice3A_757 : vector<8xi32> to vector<8x1xi32>
    %eq3A_759 = vector.broadcast %broadcast_in_dim3A_758 : vector<8x1xi32> to vector<8x8192xi32>
    %eq3A_760 = arith.cmpi eq, %eq3A_759, %iota3A : vector<8x8192xi32>
    %convert_element_type3A_761 = arith.extui %eq3A_760 : vector<8x8192xi1> to vector<8x8192xi32>
    %convert_element_type3A_762 = arith.sitofp %convert_element_type3A_761 : vector<8x8192xi32> to vector<8x8192xf32>
    %add3A_763 = arith.addf %add3A_756, %convert_element_type3A_762 : vector<8x8192xf32>
    %slice3A_764 = vector.extract_strided_slice %get3A_3 {offsets = [872], sizes = [8], strides = [1]} : vector<1024xi32> to vector<8xi32>
    %broadcast_in_dim3A_765 = vector.shape_cast %slice3A_764 : vector<8xi32> to vector<8x1xi32>
    %eq3A_766 = vector.broadcast %broadcast_in_dim3A_765 : vector<8x1xi32> to vector<8x8192xi32>
    %eq3A_767 = arith.cmpi eq, %eq3A_766, %iota3A : vector<8x8192xi32>
    %convert_element_type3A_768 = arith.extui %eq3A_767 : vector<8x8192xi1> to vector<8x8192xi32>
    %convert_element_type3A_769 = arith.sitofp %convert_element_type3A_768 : vector<8x8192xi32> to vector<8x8192xf32>
    %add3A_770 = arith.addf %add3A_763, %convert_element_type3A_769 : vector<8x8192xf32>
    %slice3A_771 = vector.extract_strided_slice %get3A_3 {offsets = [880], sizes = [8], strides = [1]} : vector<1024xi32> to vector<8xi32>
    %broadcast_in_dim3A_772 = vector.shape_cast %slice3A_771 : vector<8xi32> to vector<8x1xi32>
    %eq3A_773 = vector.broadcast %broadcast_in_dim3A_772 : vector<8x1xi32> to vector<8x8192xi32>
    %eq3A_774 = arith.cmpi eq, %eq3A_773, %iota3A : vector<8x8192xi32>
    %convert_element_type3A_775 = arith.extui %eq3A_774 : vector<8x8192xi1> to vector<8x8192xi32>
    %convert_element_type3A_776 = arith.sitofp %convert_element_type3A_775 : vector<8x8192xi32> to vector<8x8192xf32>
    %add3A_777 = arith.addf %add3A_770, %convert_element_type3A_776 : vector<8x8192xf32>
    %slice3A_778 = vector.extract_strided_slice %get3A_3 {offsets = [888], sizes = [8], strides = [1]} : vector<1024xi32> to vector<8xi32>
    %broadcast_in_dim3A_779 = vector.shape_cast %slice3A_778 : vector<8xi32> to vector<8x1xi32>
    %eq3A_780 = vector.broadcast %broadcast_in_dim3A_779 : vector<8x1xi32> to vector<8x8192xi32>
    %eq3A_781 = arith.cmpi eq, %eq3A_780, %iota3A : vector<8x8192xi32>
    %convert_element_type3A_782 = arith.extui %eq3A_781 : vector<8x8192xi1> to vector<8x8192xi32>
    %convert_element_type3A_783 = arith.sitofp %convert_element_type3A_782 : vector<8x8192xi32> to vector<8x8192xf32>
    %add3A_784 = arith.addf %add3A_777, %convert_element_type3A_783 : vector<8x8192xf32>
    %slice3A_785 = vector.extract_strided_slice %get3A_3 {offsets = [896], sizes = [8], strides = [1]} : vector<1024xi32> to vector<8xi32>
    %broadcast_in_dim3A_786 = vector.shape_cast %slice3A_785 : vector<8xi32> to vector<8x1xi32>
    %eq3A_787 = vector.broadcast %broadcast_in_dim3A_786 : vector<8x1xi32> to vector<8x8192xi32>
    %eq3A_788 = arith.cmpi eq, %eq3A_787, %iota3A : vector<8x8192xi32>
    %convert_element_type3A_789 = arith.extui %eq3A_788 : vector<8x8192xi1> to vector<8x8192xi32>
    %convert_element_type3A_790 = arith.sitofp %convert_element_type3A_789 : vector<8x8192xi32> to vector<8x8192xf32>
    %add3A_791 = arith.addf %add3A_784, %convert_element_type3A_790 : vector<8x8192xf32>
    %slice3A_792 = vector.extract_strided_slice %get3A_3 {offsets = [904], sizes = [8], strides = [1]} : vector<1024xi32> to vector<8xi32>
    %broadcast_in_dim3A_793 = vector.shape_cast %slice3A_792 : vector<8xi32> to vector<8x1xi32>
    %eq3A_794 = vector.broadcast %broadcast_in_dim3A_793 : vector<8x1xi32> to vector<8x8192xi32>
    %eq3A_795 = arith.cmpi eq, %eq3A_794, %iota3A : vector<8x8192xi32>
    %convert_element_type3A_796 = arith.extui %eq3A_795 : vector<8x8192xi1> to vector<8x8192xi32>
    %convert_element_type3A_797 = arith.sitofp %convert_element_type3A_796 : vector<8x8192xi32> to vector<8x8192xf32>
    %add3A_798 = arith.addf %add3A_791, %convert_element_type3A_797 : vector<8x8192xf32>
    %slice3A_799 = vector.extract_strided_slice %get3A_3 {offsets = [912], sizes = [8], strides = [1]} : vector<1024xi32> to vector<8xi32>
    %broadcast_in_dim3A_800 = vector.shape_cast %slice3A_799 : vector<8xi32> to vector<8x1xi32>
    %eq3A_801 = vector.broadcast %broadcast_in_dim3A_800 : vector<8x1xi32> to vector<8x8192xi32>
    %eq3A_802 = arith.cmpi eq, %eq3A_801, %iota3A : vector<8x8192xi32>
    %convert_element_type3A_803 = arith.extui %eq3A_802 : vector<8x8192xi1> to vector<8x8192xi32>
    %convert_element_type3A_804 = arith.sitofp %convert_element_type3A_803 : vector<8x8192xi32> to vector<8x8192xf32>
    %add3A_805 = arith.addf %add3A_798, %convert_element_type3A_804 : vector<8x8192xf32>
    %slice3A_806 = vector.extract_strided_slice %get3A_3 {offsets = [920], sizes = [8], strides = [1]} : vector<1024xi32> to vector<8xi32>
    %broadcast_in_dim3A_807 = vector.shape_cast %slice3A_806 : vector<8xi32> to vector<8x1xi32>
    %eq3A_808 = vector.broadcast %broadcast_in_dim3A_807 : vector<8x1xi32> to vector<8x8192xi32>
    %eq3A_809 = arith.cmpi eq, %eq3A_808, %iota3A : vector<8x8192xi32>
    %convert_element_type3A_810 = arith.extui %eq3A_809 : vector<8x8192xi1> to vector<8x8192xi32>
    %convert_element_type3A_811 = arith.sitofp %convert_element_type3A_810 : vector<8x8192xi32> to vector<8x8192xf32>
    %add3A_812 = arith.addf %add3A_805, %convert_element_type3A_811 : vector<8x8192xf32>
    %slice3A_813 = vector.extract_strided_slice %get3A_3 {offsets = [928], sizes = [8], strides = [1]} : vector<1024xi32> to vector<8xi32>
    %broadcast_in_dim3A_814 = vector.shape_cast %slice3A_813 : vector<8xi32> to vector<8x1xi32>
    %eq3A_815 = vector.broadcast %broadcast_in_dim3A_814 : vector<8x1xi32> to vector<8x8192xi32>
    %eq3A_816 = arith.cmpi eq, %eq3A_815, %iota3A : vector<8x8192xi32>
    %convert_element_type3A_817 = arith.extui %eq3A_816 : vector<8x8192xi1> to vector<8x8192xi32>
    %convert_element_type3A_818 = arith.sitofp %convert_element_type3A_817 : vector<8x8192xi32> to vector<8x8192xf32>
    %add3A_819 = arith.addf %add3A_812, %convert_element_type3A_818 : vector<8x8192xf32>
    %slice3A_820 = vector.extract_strided_slice %get3A_3 {offsets = [936], sizes = [8], strides = [1]} : vector<1024xi32> to vector<8xi32>
    %broadcast_in_dim3A_821 = vector.shape_cast %slice3A_820 : vector<8xi32> to vector<8x1xi32>
    %eq3A_822 = vector.broadcast %broadcast_in_dim3A_821 : vector<8x1xi32> to vector<8x8192xi32>
    %eq3A_823 = arith.cmpi eq, %eq3A_822, %iota3A : vector<8x8192xi32>
    %convert_element_type3A_824 = arith.extui %eq3A_823 : vector<8x8192xi1> to vector<8x8192xi32>
    %convert_element_type3A_825 = arith.sitofp %convert_element_type3A_824 : vector<8x8192xi32> to vector<8x8192xf32>
    %add3A_826 = arith.addf %add3A_819, %convert_element_type3A_825 : vector<8x8192xf32>
    %slice3A_827 = vector.extract_strided_slice %get3A_3 {offsets = [944], sizes = [8], strides = [1]} : vector<1024xi32> to vector<8xi32>
    %broadcast_in_dim3A_828 = vector.shape_cast %slice3A_827 : vector<8xi32> to vector<8x1xi32>
    %eq3A_829 = vector.broadcast %broadcast_in_dim3A_828 : vector<8x1xi32> to vector<8x8192xi32>
    %eq3A_830 = arith.cmpi eq, %eq3A_829, %iota3A : vector<8x8192xi32>
    %convert_element_type3A_831 = arith.extui %eq3A_830 : vector<8x8192xi1> to vector<8x8192xi32>
    %convert_element_type3A_832 = arith.sitofp %convert_element_type3A_831 : vector<8x8192xi32> to vector<8x8192xf32>
    %add3A_833 = arith.addf %add3A_826, %convert_element_type3A_832 : vector<8x8192xf32>
    %slice3A_834 = vector.extract_strided_slice %get3A_3 {offsets = [952], sizes = [8], strides = [1]} : vector<1024xi32> to vector<8xi32>
    %broadcast_in_dim3A_835 = vector.shape_cast %slice3A_834 : vector<8xi32> to vector<8x1xi32>
    %eq3A_836 = vector.broadcast %broadcast_in_dim3A_835 : vector<8x1xi32> to vector<8x8192xi32>
    %eq3A_837 = arith.cmpi eq, %eq3A_836, %iota3A : vector<8x8192xi32>
    %convert_element_type3A_838 = arith.extui %eq3A_837 : vector<8x8192xi1> to vector<8x8192xi32>
    %convert_element_type3A_839 = arith.sitofp %convert_element_type3A_838 : vector<8x8192xi32> to vector<8x8192xf32>
    %add3A_840 = arith.addf %add3A_833, %convert_element_type3A_839 : vector<8x8192xf32>
    %slice3A_841 = vector.extract_strided_slice %get3A_3 {offsets = [960], sizes = [8], strides = [1]} : vector<1024xi32> to vector<8xi32>
    %broadcast_in_dim3A_842 = vector.shape_cast %slice3A_841 : vector<8xi32> to vector<8x1xi32>
    %eq3A_843 = vector.broadcast %broadcast_in_dim3A_842 : vector<8x1xi32> to vector<8x8192xi32>
    %eq3A_844 = arith.cmpi eq, %eq3A_843, %iota3A : vector<8x8192xi32>
    %convert_element_type3A_845 = arith.extui %eq3A_844 : vector<8x8192xi1> to vector<8x8192xi32>
    %convert_element_type3A_846 = arith.sitofp %convert_element_type3A_845 : vector<8x8192xi32> to vector<8x8192xf32>
    %add3A_847 = arith.addf %add3A_840, %convert_element_type3A_846 : vector<8x8192xf32>
    %slice3A_848 = vector.extract_strided_slice %get3A_3 {offsets = [968], sizes = [8], strides = [1]} : vector<1024xi32> to vector<8xi32>
    %broadcast_in_dim3A_849 = vector.shape_cast %slice3A_848 : vector<8xi32> to vector<8x1xi32>
    %eq3A_850 = vector.broadcast %broadcast_in_dim3A_849 : vector<8x1xi32> to vector<8x8192xi32>
    %eq3A_851 = arith.cmpi eq, %eq3A_850, %iota3A : vector<8x8192xi32>
    %convert_element_type3A_852 = arith.extui %eq3A_851 : vector<8x8192xi1> to vector<8x8192xi32>
    %convert_element_type3A_853 = arith.sitofp %convert_element_type3A_852 : vector<8x8192xi32> to vector<8x8192xf32>
    %add3A_854 = arith.addf %add3A_847, %convert_element_type3A_853 : vector<8x8192xf32>
    %slice3A_855 = vector.extract_strided_slice %get3A_3 {offsets = [976], sizes = [8], strides = [1]} : vector<1024xi32> to vector<8xi32>
    %broadcast_in_dim3A_856 = vector.shape_cast %slice3A_855 : vector<8xi32> to vector<8x1xi32>
    %eq3A_857 = vector.broadcast %broadcast_in_dim3A_856 : vector<8x1xi32> to vector<8x8192xi32>
    %eq3A_858 = arith.cmpi eq, %eq3A_857, %iota3A : vector<8x8192xi32>
    %convert_element_type3A_859 = arith.extui %eq3A_858 : vector<8x8192xi1> to vector<8x8192xi32>
    %convert_element_type3A_860 = arith.sitofp %convert_element_type3A_859 : vector<8x8192xi32> to vector<8x8192xf32>
    %add3A_861 = arith.addf %add3A_854, %convert_element_type3A_860 : vector<8x8192xf32>
    %slice3A_862 = vector.extract_strided_slice %get3A_3 {offsets = [984], sizes = [8], strides = [1]} : vector<1024xi32> to vector<8xi32>
    %broadcast_in_dim3A_863 = vector.shape_cast %slice3A_862 : vector<8xi32> to vector<8x1xi32>
    %eq3A_864 = vector.broadcast %broadcast_in_dim3A_863 : vector<8x1xi32> to vector<8x8192xi32>
    %eq3A_865 = arith.cmpi eq, %eq3A_864, %iota3A : vector<8x8192xi32>
    %convert_element_type3A_866 = arith.extui %eq3A_865 : vector<8x8192xi1> to vector<8x8192xi32>
    %convert_element_type3A_867 = arith.sitofp %convert_element_type3A_866 : vector<8x8192xi32> to vector<8x8192xf32>
    %add3A_868 = arith.addf %add3A_861, %convert_element_type3A_867 : vector<8x8192xf32>
    %slice3A_869 = vector.extract_strided_slice %get3A_3 {offsets = [992], sizes = [8], strides = [1]} : vector<1024xi32> to vector<8xi32>
    %broadcast_in_dim3A_870 = vector.shape_cast %slice3A_869 : vector<8xi32> to vector<8x1xi32>
    %eq3A_871 = vector.broadcast %broadcast_in_dim3A_870 : vector<8x1xi32> to vector<8x8192xi32>
    %eq3A_872 = arith.cmpi eq, %eq3A_871, %iota3A : vector<8x8192xi32>
    %convert_element_type3A_873 = arith.extui %eq3A_872 : vector<8x8192xi1> to vector<8x8192xi32>
    %convert_element_type3A_874 = arith.sitofp %convert_element_type3A_873 : vector<8x8192xi32> to vector<8x8192xf32>
    %add3A_875 = arith.addf %add3A_868, %convert_element_type3A_874 : vector<8x8192xf32>
    %slice3A_876 = vector.extract_strided_slice %get3A_3 {offsets = [1000], sizes = [8], strides = [1]} : vector<1024xi32> to vector<8xi32>
    %broadcast_in_dim3A_877 = vector.shape_cast %slice3A_876 : vector<8xi32> to vector<8x1xi32>
    %eq3A_878 = vector.broadcast %broadcast_in_dim3A_877 : vector<8x1xi32> to vector<8x8192xi32>
    %eq3A_879 = arith.cmpi eq, %eq3A_878, %iota3A : vector<8x8192xi32>
    %convert_element_type3A_880 = arith.extui %eq3A_879 : vector<8x8192xi1> to vector<8x8192xi32>
    %convert_element_type3A_881 = arith.sitofp %convert_element_type3A_880 : vector<8x8192xi32> to vector<8x8192xf32>
    %add3A_882 = arith.addf %add3A_875, %convert_element_type3A_881 : vector<8x8192xf32>
    %slice3A_883 = vector.extract_strided_slice %get3A_3 {offsets = [1008], sizes = [8], strides = [1]} : vector<1024xi32> to vector<8xi32>
    %broadcast_in_dim3A_884 = vector.shape_cast %slice3A_883 : vector<8xi32> to vector<8x1xi32>
    %eq3A_885 = vector.broadcast %broadcast_in_dim3A_884 : vector<8x1xi32> to vector<8x8192xi32>
    %eq3A_886 = arith.cmpi eq, %eq3A_885, %iota3A : vector<8x8192xi32>
    %convert_element_type3A_887 = arith.extui %eq3A_886 : vector<8x8192xi1> to vector<8x8192xi32>
    %convert_element_type3A_888 = arith.sitofp %convert_element_type3A_887 : vector<8x8192xi32> to vector<8x8192xf32>
    %add3A_889 = arith.addf %add3A_882, %convert_element_type3A_888 : vector<8x8192xf32>
    %slice3A_890 = vector.extract_strided_slice %get3A_3 {offsets = [1016], sizes = [8], strides = [1]} : vector<1024xi32> to vector<8xi32>
    %broadcast_in_dim3A_891 = vector.shape_cast %slice3A_890 : vector<8xi32> to vector<8x1xi32>
    %eq3A_892 = vector.broadcast %broadcast_in_dim3A_891 : vector<8x1xi32> to vector<8x8192xi32>
    %eq3A_893 = arith.cmpi eq, %eq3A_892, %iota3A : vector<8x8192xi32>
    %convert_element_type3A_894 = arith.extui %eq3A_893 : vector<8x8192xi1> to vector<8x8192xi32>
    %convert_element_type3A_895 = arith.sitofp %convert_element_type3A_894 : vector<8x8192xi32> to vector<8x8192xf32>
    %add3A_896 = arith.addf %add3A_889, %convert_element_type3A_895 : vector<8x8192xf32>
    %reduce_sum3A = arith.constant dense<0.000000e+00> : vector<8192xf32>
    %reduce_sum3A_897 = vector.multi_reduction <add>, %add3A_896, %reduce_sum3A [0] : vector<8x8192xf32> to vector<8192xf32>
    %broadcast_in_dim3A_898 = vector.shape_cast %reduce_sum3A_897 : vector<8192xf32> to vector<1x8192xf32>
    %eq3A_899 = arith.constant 0 : i32
    %eq3A_900 = arith.cmpi eq, %arg0, %eq3A_899 : i32
    %convert_element_type3A_901 = arith.extui %eq3A_900 : i1 to i32
    %cond3A = arith.constant 0 : i32
    %cond3A_902 = arith.cmpi ne, %convert_element_type3A_901, %cond3A : i32
    scf.if %cond3A_902 {
      %swap3A = arith.constant 0 : index
      %swap3A_912 = arith.constant 0 : index
      %swap3A_913 = vector.load %arg2[%swap3A, %swap3A_912] : memref<1x8192xf32, #tpu.memory_space<vmem>>, vector<1x8192xf32>
      tpu.vector_store %arg2[%swap3A, %swap3A_912], %broadcast_in_dim3A_898 {strides = array<i32>} : memref<1x8192xf32, #tpu.memory_space<vmem>>, vector<1x8192xf32>,
    } else {
    }
    %ne3A = arith.constant 0 : i32
    %ne3A_903 = arith.cmpi ne, %arg0, %ne3A : i32
    %convert_element_type3A_904 = arith.extui %ne3A_903 : i1 to i32
    %cond3A_905 = arith.constant 0 : i32
    %cond3A_906 = arith.cmpi ne, %convert_element_type3A_904, %cond3A_905 : i32
    scf.if %cond3A_906 {
      %get3A_912 = arith.constant 0 : index
      %get3A_913 = arith.constant 0 : index
      %get3A_914 = vector.load %arg2[%get3A_912, %get3A_913] : memref<1x8192xf32, #tpu.memory_space<vmem>>, vector<1x8192xf32>
      %add3A_915 = arith.addf %get3A_914, %broadcast_in_dim3A_898 : vector<1x8192xf32>
      %swap3A = arith.constant 0 : index
      %swap3A_916 = arith.constant 0 : index
      %swap3A_917 = vector.load %arg2[%swap3A, %swap3A_916] : memref<1x8192xf32, #tpu.memory_space<vmem>>, vector<1x8192xf32>
      tpu.vector_store %arg2[%swap3A, %swap3A_916], %add3A_915 {strides = array<i32>} : memref<1x8192xf32, #tpu.memory_space<vmem>>, vector<1x8192xf32>,
    } else {
    }
    %eq3A_907 = arith.constant 7 : i32
    %eq3A_908 = arith.cmpi eq, %arg0, %eq3A_907 : i32
    %convert_element_type3A_909 = arith.extui %eq3A_908 : i1 to i32
    %cond3A_910 = arith.constant 0 : i32
    %cond3A_911 = arith.cmpi ne, %convert_element_type3A_909, %cond3A_910 : i32
    scf.if %cond3A_911 {
      %get3A_912 = arith.constant 0 : index
      %get3A_913 = arith.constant 0 : index
      %get3A_914 = vector.load %arg2[%get3A_912, %get3A_913] : memref<1x8192xf32, #tpu.memory_space<vmem>>, vector<1x8192xf32>
      %mul3A = arith.constant 1.22070313E-4 : f32
      %mul3A_915 = vector.broadcast %mul3A : f32 to vector<1x8192xf32>
      %mul3A_916 = arith.mulf %get3A_914, %mul3A_915 : vector<1x8192xf32>
      %add3A_917 = arith.constant 1.000000e-10 : f32
      %add3A_918 = vector.broadcast %add3A_917 : f32 to vector<1x8192xf32>
      %add3A_919 = arith.addf %mul3A_916, %add3A_918 : vector<1x8192xf32>
      %log3A = math.log %add3A_919 : vector<1x8192xf32>
      %mul3A_920 = arith.mulf %mul3A_916, %log3A : vector<1x8192xf32>
      %reduce_sum3A_921 = vector.shape_cast %mul3A_920 : vector<1x8192xf32> to vector<1x1x8192xf32>
      %reduce_sum3A_922 = arith.constant dense<0.000000e+00> : vector<1xf32>
      %reduce_sum3A_923 = vector.multi_reduction <add>, %reduce_sum3A_921, %reduce_sum3A_922 [1, 2] : vector<1x1x8192xf32> to vector<1xf32>
      %reduce_sum3A_924 = vector.shape_cast %reduce_sum3A_923 : vector<1xf32> to vector<1x1x1xf32>
      %reduce_sum3A_925 = vector.extract %reduce_sum3A_924[0, 0, 0] : f32 from vector<1x1x1xf32>
      %neg3A = arith.constant 0.000000e+00 : f32
      %neg3A_926 = arith.subf %neg3A, %reduce_sum3A_925 : f32
      %exp3A = math.exp %neg3A_926 : f32
      %reshape3A = vector.broadcast %exp3A : f32 to vector<1x1xf32>
      %swap3A = arith.constant 0 : index
      %swap3A_927 = arith.constant 0 : index
      %swap3A_928 = vector.load %arg3[%swap3A, %swap3A_927] : memref<1x1xf32, #tpu.memory_space<vmem>>, vector<1x1xf32>
      tpu.vector_store %arg3[%swap3A, %swap3A_927], %reshape3A {strides = array<i32>} : memref<1x1xf32, #tpu.memory_space<vmem>>, vector<1x1xf32>,
    } else {
    }
    return
  }
  func.func @transform_0(%arg0: i32) -> (i32, i32, i32) {
    %c0_i32 = arith.constant 0 : i32
    %c0_i32_0 = arith.constant 0 : i32
    %c0_i32_1 = arith.constant 0 : i32
    return %arg0, %c0_i32, %c0_i32_0 : i32, i32, i32
  }
  func.func @transform_1(%arg0: i32) -> (i32, i32) {
    %c0_i32 = arith.constant 0 : i32
    %c0_i32_0 = arith.constant 0 : i32
    %c0_i32_1 = arith.constant 0 : i32
    return %c0_i32, %c0_i32_0 : i32, i32
  }
  func.func @transform_2(%arg0: i32) -> (i32, i32) {
    %c0_i32 = arith.constant 0 : i32
    %c0_i32_0 = arith.constant 0 : i32
    %c0_i32_1 = arith.constant 0 : i32
    return %c0_i32, %c0_i32_0 : i32, i32
  }
}

module attributes {stable_mosaic.version = 14 : i64} {
  func.func @_epilogue_body(%arg0: i32, %arg1: memref<1024x256xf32, #tpu.memory_space<vmem>>, %arg2: memref<1024x256xf32, #tpu.memory_space<vmem>>, %arg3: memref<1024x256xf32, #tpu.memory_space<vmem>>, %arg4: memref<1x1xf32, #tpu.memory_space<vmem>>, %arg5: memref<1x1xf32, #tpu.memory_space<smem>>) attributes {dimension_semantics = [#tpu.dimension_semantics<arbitrary>], iteration_bounds = array<i64: 8>, scalar_prefetch = 0 : i64, scratch_operands = 1 : i64, tpu.core_type = #tpu.core_type<tc>, window_params = [{transform_indices = @transform_0, window_bounds = array<i64: 1024, 256>}, {transform_indices = @transform_1, window_bounds = array<i64: 1024, 256>}, {transform_indices = @transform_2, window_bounds = array<i64: 1024, 256>}, {pipeline_mode = #tpu.pipeline_mode<synchronous>, transform_indices = @transform_3, window_bounds = array<i64: 1, 1>}]} {
    %get3A = arith.constant 0 : index
    %get3A_0 = arith.constant 0 : index
    %get3A_1 = vector.load %arg1[%get3A, %get3A_0] : memref<1024x256xf32, #tpu.memory_space<vmem>>, vector<1024x256xf32>
    %get3A_2 = arith.constant 0 : index
    %get3A_3 = arith.constant 0 : index
    %get3A_4 = vector.load %arg2[%get3A_2, %get3A_3] : memref<1024x256xf32, #tpu.memory_space<vmem>>, vector<1024x256xf32>
    %sub3A = arith.subf %get3A_4, %get3A_1 : vector<1024x256xf32>
    %add3A = arith.addf %get3A_1, %sub3A : vector<1024x256xf32>
    %swap3A = arith.constant 0 : index
    %swap3A_5 = arith.constant 0 : index
    %swap3A_6 = vector.load %arg3[%swap3A, %swap3A_5] : memref<1024x256xf32, #tpu.memory_space<vmem>>, vector<1024x256xf32>
    tpu.vector_store %arg3[%swap3A, %swap3A_5], %add3A {strides = array<i32>} : memref<1024x256xf32, #tpu.memory_space<vmem>>, vector<1024x256xf32>,
    %mul3A = arith.mulf %sub3A, %sub3A : vector<1024x256xf32>
    %reduce_sum3A = vector.shape_cast %mul3A : vector<1024x256xf32> to vector<1x1024x256xf32>
    %reduce_sum3A_7 = arith.constant dense<0.000000e+00> : vector<1xf32>
    %reduce_sum3A_8 = vector.multi_reduction <add>, %reduce_sum3A, %reduce_sum3A_7 [1, 2] : vector<1x1024x256xf32> to vector<1xf32>
    %reduce_sum3A_9 = vector.shape_cast %reduce_sum3A_8 : vector<1xf32> to vector<1x1x1xf32>
    %reduce_sum3A_10 = vector.extract %reduce_sum3A_9[0, 0, 0] : f32 from vector<1x1x1xf32>
    %eq3A = arith.constant 0 : i32
    %eq3A_11 = arith.cmpi eq, %arg0, %eq3A : i32
    %convert_element_type3A = arith.extui %eq3A_11 : i1 to i32
    %cond3A = arith.constant 0 : i32
    %cond3A_12 = arith.cmpi ne, %convert_element_type3A, %cond3A : i32
    scf.if %cond3A_12 {
      %swap3A_22 = arith.constant 0 : index
      %swap3A_23 = arith.constant 0 : index
      %swap3A_24 = memref.load %arg5[%swap3A_22, %swap3A_23] : memref<1x1xf32, #tpu.memory_space<smem>>
      memref.store %reduce_sum3A_10, %arg5[%swap3A_22, %swap3A_23] : memref<1x1xf32, #tpu.memory_space<smem>>
    } else {
    }
    %ne3A = arith.constant 0 : i32
    %ne3A_13 = arith.cmpi ne, %arg0, %ne3A : i32
    %convert_element_type3A_14 = arith.extui %ne3A_13 : i1 to i32
    %cond3A_15 = arith.constant 0 : i32
    %cond3A_16 = arith.cmpi ne, %convert_element_type3A_14, %cond3A_15 : i32
    scf.if %cond3A_16 {
      %get3A_22 = arith.constant 0 : index
      %get3A_23 = arith.constant 0 : index
      %get3A_24 = memref.load %arg5[%get3A_22, %get3A_23] : memref<1x1xf32, #tpu.memory_space<smem>>
      %add3A_25 = arith.addf %get3A_24, %reduce_sum3A_10 : f32
      %swap3A_26 = arith.constant 0 : index
      %swap3A_27 = arith.constant 0 : index
      %swap3A_28 = memref.load %arg5[%swap3A_26, %swap3A_27] : memref<1x1xf32, #tpu.memory_space<smem>>
      memref.store %add3A_25, %arg5[%swap3A_26, %swap3A_27] : memref<1x1xf32, #tpu.memory_space<smem>>
    } else {
    }
    %eq3A_17 = arith.constant 7 : i32
    %eq3A_18 = arith.cmpi eq, %arg0, %eq3A_17 : i32
    %convert_element_type3A_19 = arith.extui %eq3A_18 : i1 to i32
    %cond3A_20 = arith.constant 0 : i32
    %cond3A_21 = arith.cmpi ne, %convert_element_type3A_19, %cond3A_20 : i32
    scf.if %cond3A_21 {
      %get3A_22 = arith.constant 0 : index
      %get3A_23 = arith.constant 0 : index
      %get3A_24 = memref.load %arg5[%get3A_22, %get3A_23] : memref<1x1xf32, #tpu.memory_space<smem>>
      %mul3A_25 = arith.constant 4.76837158E-7 : f32
      %mul3A_26 = arith.mulf %get3A_24, %mul3A_25 : f32
      %mul3A_27 = arith.constant 2.500000e-01 : f32
      %mul3A_28 = arith.mulf %mul3A_27, %mul3A_26 : f32
      %add3A_29 = arith.addf %mul3A_26, %mul3A_28 : f32
      %reshape3A = vector.broadcast %add3A_29 : f32 to vector<1x1xf32>
      %swap3A_30 = arith.constant 0 : index
      %swap3A_31 = arith.constant 0 : index
      %swap3A_32 = vector.load %arg4[%swap3A_30, %swap3A_31] : memref<1x1xf32, #tpu.memory_space<vmem>>, vector<1x1xf32>
      tpu.vector_store %arg4[%swap3A_30, %swap3A_31], %reshape3A {strides = array<i32>} : memref<1x1xf32, #tpu.memory_space<vmem>>, vector<1x1xf32>,
    } else {
    }
    return
  }
  func.func @transform_0(%arg0: i32) -> (i32, i32) {
    %c0_i32 = arith.constant 0 : i32
    %c0_i32_0 = arith.constant 0 : i32
    return %arg0, %c0_i32 : i32, i32
  }
  func.func @transform_1(%arg0: i32) -> (i32, i32) {
    %c0_i32 = arith.constant 0 : i32
    %c0_i32_0 = arith.constant 0 : i32
    return %arg0, %c0_i32 : i32, i32
  }
  func.func @transform_2(%arg0: i32) -> (i32, i32) {
    %c0_i32 = arith.constant 0 : i32
    %c0_i32_0 = arith.constant 0 : i32
    return %arg0, %c0_i32 : i32, i32
  }
  func.func @transform_3(%arg0: i32) -> (i32, i32) {
    %c0_i32 = arith.constant 0 : i32
    %c0_i32_0 = arith.constant 0 : i32
    %c0_i32_1 = arith.constant 0 : i32
    return %c0_i32, %c0_i32_0 : i32, i32
  }
}

</mosaic_0001>

<sc_bundles>
// kernel: kernel.6.cloned.1.call-start
scs
__scs_entry_jumppad:
0x0: {  	(pc) =	sbr.rel $0x88, $3  }
0x1: {  	(tag) =	ssettag $0x0;
	lr =	simm.s32 $0x1  }
0x2: {  	[smem:$0x3F9F] =	sst lr;
	_ =	strace $0xD0000000  }
0x3: {  	_ = 	snop  }
0x4: {  	_ = 	snop  }
0x5: {  	_ = 	snop  }
0x6: {  	_ = 	snop  }
0x7: {  	_ = 	snop  }
__scs_overlays_trampoline_lowered:
0x8: {  	[smem:$0x3FAE] =	sst s0  }
0x9: {  	[smem:$0x3FAF] =	sst s1  }
0xa: {  	[smem:$0x3FB0] =	sst s2  }
0xb: {  	[smem:$0x3FB1] =	sst s3  }
0xc: {  	[smem:$0x3FB2] =	sst s4  }
0xd: {  	[smem:$0x3FB3] =	sst s5  }
0xe: {  	[smem:$0x3FB4] =	sst s6  }
0xf: {  	[smem:$0x3FB5] =	sst s7  }
0x10: {  	[smem:$0x3FB6] =	sst s8  }
0x11: {  	[smem:$0x3FB7] =	sst s9;
	s0 =	simm.s32 @!p0 $0x0  }
0x12: {  	s1 =	sld [smem:$0x3F9D];
	s0 =	simm.s32 @p0 $0x1  }
0x13: {  	[smem:$0x3FB8] =	sst s0;
	s0 =	simm.s32 @!p1 $0x0  }
0x14: {  	s2 =	sld [smem:$0x3F9C];
	s0 =	simm.s32 @p1 $0x1  }
0x15: {  	[smem:$0x3FB9] =	sst s0;
	s0 =	simm.s32 @!p2 $0x0  }
0x16: {  	s3 =	sld [smem:$0x3FDB];
	s0 =	simm.s32 @p2 $0x1  }
0x17: {  	s4 =	simm.s32 $0x1BF5;
	[smem:$0x3FBB] =	sst s0  }
0x18: {  	s0 =	sld [smem:$0x3F9E];
	_ =	swait.ge [sflag:s4], $0x0  }
0x19: {  	s7 =	sld [smem:$0x3F9F]  }
0x1a: {  	s8 =	sadd.s32 $0xFFFFE003, lr  }
0x1b: {  	s9 =	sadd.s32 $0xFFFFFEF7, lr;
	s5 =	simm.s32 $0xFFFFFFFF;
	p2 =	slt.u32 s8, $0xFFFFF086  }
0x1c: {  	p1 =	slt.u32 s9, $0xF7A;
	s5 =	simm.s32 @!p2 $0x0  }
0x1d: {  	s5 =	simm.s32 @p1 $0x1;
	p0 =	seq.s32 s7, s2  }
0x1e: {  	s7 =	smul.u32 @!p0 $0xF7A, s2;
	p2 =	seq.s32 @!p0 s5, $0x0  }
0x1f: {  	s9 =	smul.u32 $0xF7A, s1;
	s8 =	simm.s32 @!p0 $0x1BF5;
	p2 =	por !p2, p0  }
0x20: {  	[sflag:s8] =	ssyncset.s32 @!p0 $0xFFFFF086;
	s6 =	sadd.s32 @!p0 s3, s7;
	s7 =	simm.s32 @!p0 $0x108  }
0x21: {  	s3 =	sadd.s32 s3, s9;
	s6 =	sadd.s32 @!p0 $0x88, s6;
	s7 =	simm.s32 @p2 $0x1082  }
0x22: {  	[simem:s7], [sflag:s8] =	dma.local @!p0 [hbm:s6], $0xF7A  }
0x23: {  	s9 =	sor.u32 $0xD0000000, s2;
	s6 =	simm.s32 $0x108;
	_ =	swait.ge @!p0 [sflag:s8], $0x0  }
0x24: {  	s3 =	sadd.s32 $0x88, s3;
	s6 =	simm.s32 @!p1 $0x1082;
	[sflag:s4] =	ssyncset.s32 $0xFFFFF086  }
0x25: {  	[simem:s6], [sflag:s4] =	dma.local [hbm:s3], $0xF7A  }
0x26: {  	[smem:$0x3F9F] =	sst s1;
	(tag) =	ssettag s2;
	_ =	strace s9  }
0x27: {  	s1 =	sld [smem:$0x3FAF]  }
0x28: {  	s2 =	sld [smem:$0x3FB0]  }
0x29: {  	s4 =	sld [smem:$0x3FB2]  }
0x2a: {  	p0 =	seq.s32 s5, $0x0;
	s5 =	sld [smem:$0x3FB3]  }
0x2b: {  	s6 =	sld [smem:$0x3FB4]  }
0x2c: {  	s7 =	sld [smem:$0x3FB5]  }
0x2d: {  	s3 =	simm.s32 $0x108;
	s8 =	sld [smem:$0x3FB6]  }
0x2e: {  	s3 =	simm.s32 @!p0 $0x1082;
	s9 =	sld [smem:$0x3FB7]  }
0x2f: {  	lr =	sadd.s32 s0, s3;
	s0 =	sld [smem:$0x3FAE]  }
0x30: {  	s3 =	sld [smem:$0x3FB1]  }
0x31: {  	[smem:$0x3FBA] =	sst s10  }
0x32: {  	s10 =	sld [smem:$0x3FB8];
	_ =	sdelay $0x3  }
0x33: {  	p0 =	seq.s32 s10, $0x1;
	s10 =	sld [smem:$0x3FBA];
	_ =	sdelay $0x3  }
0x34: {  	[smem:$0x3FBA] =	sst s10  }
0x35: {  	s10 =	sld [smem:$0x3FB9];
	_ =	sdelay $0x3  }
0x36: {  	p1 =	seq.s32 s10, $0x1;
	s10 =	sld [smem:$0x3FBA];
	_ =	sdelay $0x3  }
0x37: {  	[smem:$0x3FBA] =	sst s10  }
0x38: {  	s10 =	sld [smem:$0x3FBB]  }
0x39: {  	_ = 	snop;
	(pc) =	sbr.ind lr, $3  }
0x3a: {  	_ = 	snop  }
0x3b: {  	_ = 	snop  }
0x3c: {  	p2 =	seq.s32 s10, $0x1;
	s10 =	sld [smem:$0x3FBA]  }
0x3d: {  	_ =	shalt  }
0x3e: {  	_ =	shalt  }
0x3f: {  	_ =	shalt  }
0x40: {  	_ =	shalt  }
0x41: {  	_ =	shalt  }
0x42: {  	_ =	shalt  }
0x43: {  	_ =	shalt  }
0x44: {  	_ =	shalt  }
0x45: {  	_ =	shalt  }
0x46: {  	_ =	shalt  }
0x47: {  	_ =	shalt  }
0x48: {  	_ =	shalt  }
0x49: {  	_ =	shalt  }
0x4a: {  	_ =	shalt  }
0x4b: {  	_ =	shalt  }
0x4c: {  	_ =	shalt  }
0x4d: {  	_ =	shalt  }
0x4e: {  	_ =	shalt  }
0x4f: {  	_ =	shalt  }
0x50: {  	_ =	shalt  }
0x51: {  	_ =	shalt  }
0x52: {  	_ =	shalt  }
0x53: {  	_ =	shalt  }
0x54: {  	_ =	shalt  }
0x55: {  	_ =	shalt  }
0x56: {  	_ =	shalt  }
0x57: {  	_ =	shalt  }
0x58: {  	_ =	shalt  }
0x59: {  	_ =	shalt  }
0x5a: {  	_ =	shalt  }
0x5b: {  	_ =	shalt  }
0x5c: {  	_ =	shalt  }
0x5d: {  	_ =	shalt  }
0x5e: {  	_ =	shalt  }
0x5f: {  	_ =	shalt  }
0x60: {  	_ =	shalt  }
0x61: {  	_ =	shalt  }
0x62: {  	_ =	shalt  }
0x63: {  	_ =	shalt  }
0x64: {  	_ =	shalt  }
0x65: {  	_ =	shalt  }
0x66: {  	_ =	shalt  }
0x67: {  	_ =	shalt  }
0x68: {  	_ =	shalt  }
0x69: {  	_ =	shalt  }
0x6a: {  	_ =	shalt  }
0x6b: {  	_ =	shalt  }
0x6c: {  	_ =	shalt  }
0x6d: {  	_ =	shalt  }
0x6e: {  	_ =	shalt  }
0x6f: {  	_ =	shalt  }
0x70: {  	_ =	shalt  }
0x71: {  	_ =	shalt  }
0x72: {  	_ =	shalt  }
0x73: {  	_ =	shalt  }
0x74: {  	_ =	shalt  }
0x75: {  	_ =	shalt  }
0x76: {  	_ =	shalt  }
0x77: {  	_ =	shalt  }
0x78: {  	_ =	shalt  }
0x79: {  	_ =	shalt  }
0x7a: {  	_ =	shalt  }
0x7b: {  	_ =	shalt  }
0x7c: {  	_ =	shalt  }
0x7d: {  	_ =	shalt  }
0x7e: {  	_ =	shalt  }
0x7f: {  	_ =	shalt  }
0x80: {  	_ =	shalt  }
0x81: {  	_ =	shalt  }
0x82: {  	_ =	shalt  }
0x83: {  	_ =	shalt  }
0x84: {  	_ =	shalt  }
0x85: {  	_ =	shalt  }
0x86: {  	_ =	shalt  }
0x87: {  	_ =	shalt  }
.Lfunc_end0:
.L_simem_size_0:
called_computation_lowered:
.L_overlay_start_0:
0x88: {  	s2 =	sld [smem:$0x3FD9]  }
0x89: {  	s3 =	sld [smem:$0x3FFE];
	_ =	sdelay $0x1  }
0x8a: {  	s1 =	srdreg.scid  }
0x8b: {  	s0 =	sand.u32 $0x1, s1  }
0x8c: {  	s14 =	sshll.u32 s0, $0xA;
	s2 =	sadd.s32 s3, s2  }
0x8d: {  	s2 =	sadd.s32 s2, s14  }
0x8e: {  	[smem:$0x3FC6] =	sst s2  }
0x8f: {  	_ = 	snop  }
0x90: {  	s2 =	sld [smem:$0x3FD0];
	_ =	sdelay $0x2  }
0x91: {  	s4 =	simm.s32 $0xA;
	s5 =	simm.s32 $0x10;
	s15 =	sld [smem:$0x3FC8]  }
0x92: {  	[smem:s5], [sflag:s4] =	dma.local [hbm:s2], $0x1  }
0x93: {  	_ =	swait.eq [sflag:s4], $0x1  }
0x94: {  	[sflag:s4] =	ssyncset.done $0x0  }
0x95: {  	[sflag:s4] =	ssyncadd.s32 $0xFFFFFFFF  }
0x96: {  	s16 =	sld [smem:$0x10];
	(tm) =	ssettm $0x1  }
0x97: {  	s17 =	sld [smem:$0x3FFB];
	_ =	sdelay $0x3  }
0x98: {  	_ =	strace s17  }
0x99: {  	s4 =	sld [smem:$0x3FFC];
	_ =	sdelay $0x3  }
0x9a: {  	_ =	strace s4  }
0x9b: {  	s4 =	sld [smem:$0x3FFD];
	_ =	sdelay $0x3  }
0x9c: {  	_ =	strace s4  }
0x9d: {  	_ =	strace $0x8FFFFFFF  }
0x9e: {  	s18 =	sld [smem:$0x3FDB];
	_ =	sdelay $0x1  }
0x9f: {  	s19 =	simm.s32 $_scs_section_size  }
0xa0: {  	s6 =	simm.s32 $_size__tile_overlayer_lowered;
	s7 =	simm.s32 $_tile_overlayer_lowered  }
0xa1: {  	s22 =	simm.s32 $0x1BFF;
	s21 =	sshll.u32 s7, $0x1;
	s4 =	sadd.s32 s19, s18  }
0xa2: {  	s8 =	simm.s32 $0x0;
	s20 =	sshll.u32 s6, $0x1;
	s6 =	sadd.s32 s21, s4  }
0xa3: {  	[timem:s8], [sflag:s22] =	dma.local [hbm:s6], s20  }
0xa4: {  	_ =	swait.ge [sflag:s22], s20  }
0xa5: {  	s5 =	ssub.s32 $0x0, s20;
	[sflag:s22] =	ssyncset.done $0x0  }
0xa6: {  	[sflag:s22] =	ssyncadd.s32 s5;
	_ =	sdelay $0x1  }
0xa7: {  	s23 =	simm.s32 $0x1B8B  }
0xa8: {  	_ =	swait.ge [sflag:s23], $0x1  }
0xa9: {  	[sflag:s23] =	ssyncset.done $0x0  }
0xaa: {  	s25 =	simm.s32 $0x1B8E;
	s24 =	sld [smem:$0x3FFE];
	[sflag:s23] =	ssyncadd.s32 $0xFFFFFFFF  }
0xab: {  	s26 =	simm.s32 $execute0_lowered;
	[smem:$0x3FD2] =	sst s25  }
0xac: {  	s6 =	sshll.u32 s26, $0x1;
	_ =	strace $0x80000046;
	[dreg:$0x1] =	wrdreg $0xFFFFFFFF  }
0xad: {  	s28 =	simm.s32 $_size_execute0_lowered;
	s4 =	sadd.s32 s4, s6;
	[dreg:$0x0] =	wrdreg $0x0  }
0xae: {  	s6 =	sshll.u32 s28, $0x1;
	[dreg:$0x2] =	wrdreg s4  }
0xaf: {  	[dreg:$0x3] =	wrdreg s6  }
0xb0: {  	[dreg:$0x4] =	wrdreg $0xC0  }
0xb1: {  	_ =	task [dreg:s8], $0x5FFFF  }
0xb2: {  	[dreg:$0x1] =	wrdreg $0xFFFFFFFF  }
0xb3: {  	[dreg:$0x0] =	wrdreg $0x60  }
0xb4: {  	[dreg:$0x2] =	wrdreg s15  }
0xb5: {  	[dreg:$0x3] =	wrdreg s24  }
0xb6: {  	[dreg:$0x4] =	wrdreg s16  }
0xb7: {  	[dreg:$0x5] =	wrdreg $0x9  }
0xb8: {  	_ =	task.clear_ibuf [dreg:s8], $0x6FFFF;
	_ =	strace $0x90000046  }
0xb9: {  	s29 =	simm.s32 $0x9;
	_ =	strace $0x8000004F  }
0xba: {  	_ =	swait.ge [sflag:s29], $0x1  }
0xbb: {  	[sflag:s29] =	ssyncadd.s32 $0xFFFFFFFF  }
0xbc: {  	_ =	strace $0x9000004F  }
0xbd: {  	_ =	sfence  }
0xbe: {  	s30 =	sld [smem:$0x0];
	_ =	sdelay $0x2  }
0xbf: {  	s31 =	sshll.u32 s1, $0xD;
	s1 =	sshrl.u32 s1, $0x2  }
0xc0: {  	s3 =	sand.u32 $0x4000, s31;
	s1 =	sadd.s32 s1, s30  }
0xc1: {  	s0 =	sor.u32 s3, s0;
	s1 =	sshll.u32 s1, $0x11  }
0xc2: {  	s0 =	sor.u32 s1, s0  }
0xc3: {  	s0 =	sadd.s32 $0x8F2B, s0  }
0xc4: {  	[sflag:s0] =	ssyncadd.remote.s32 $0x1  }
0xc5: {  	_ =	sfence.sel $0xFFFF  }
0xc6: {  	[dreg:$0x0] =	wrdreg $0xFFFFFFFF;
	(pc) =	sbr.abs _section_cstart, $3  }
0xc7: {  	[dreg:$0x1] =	wrdreg $0xFFFFFFFF  }
0xc8: {  	_ =	task.clear_ibuf [dreg:s8], $0x2FFFF;
	_ =	strace $0x9FFFFFFF  }
0xc9: {  	(tm) =	ssettm $0x7FFFFFFF  }
tec
execute0_lowered:
.L_overlay_start_1:
0x0: {  	(tag) =	ssettag $0x1  }
0x1: {  	s1 =	rddreg [dreg:$0x0]  }
0x2: {  	s5 =	rddreg [dreg:$0x1]  }
0x3: {  	s2 =	rddreg [dreg:$0x2]  }
0x4: {  	s0 =	rddreg [dreg:$0x3];
	s4 =	simm.s32 $0x0;
	s3 =	srdreg.scid  }
0x5: {  	s9 =	simm.s32 $0x5;
	s10 =	simm.s32 $0x4;
	s11 =	simm.s32 $0x0  }
.Ltmp0:
0x6: {  	[smem:$0x7FF] =	sst s4;
	s6 =	sand.u32 $0x1, s3;
	(pc) =	sbr.rel .LBB2_1-.Ltmp0, $4  }
0x7: {  	s3 =	stileid.u32;
	s7 =	ssub.s32 $0x2, s6;
	s6 =	sshll.u32 s6, $0x4  }
0x8: {  	v2 =	vlaneseq.u32;
	s5 =	sadd.s32 $0x1600, s5;
	s8 =	sshrl.u32 s7, $0x1;
	s6 =	sor.u32 s3, s6  }
0x9: {  	vm0 =	vmmov $0xffff;
	v1 =	vshrl.u32 v2, $0x3;
	_ =	strace $0x80000047;
	s8 =	ssub.s32 s7, s8;
	s31 =	sshll.u32 s6, $0x5  }
0xa: {  	v0 =	vand.u32 $0x7, v2;
	v2 =	vor.u32 $0x8, v2;
	v1 =	vmul.u32 $0x8, v1;
	s6 =	sshll.u32 s6, $0x1;
	s7 =	sadd.s32 s5, s31;
	s8 =	smax.u32 s8, $0x1  }
.LBB2_4:
0xb: {  	s12 =	sand.u32 $0x1, s12  }
0xc: {  	_ =	strace $0x8000004D;
	s12 =	sadd.s32 $0x3, s12  }
0xd: {  	_ =	swait.ge [sflag:s12], $0x8000  }
0xe: {  	[sflag:s12] =	ssyncset.done $0x0  }
0xf: {  	s11 =	sadd.s32 $0x1, s11;
	[sflag:s12] =	ssyncadd.s32 $0xFFFF8000  }
0x10: {  	p0 =	sne.s32 s11, s8;
	_ =	strace $0x9000004D  }
.Ltmp1:
0x11: {  	_ =	strace $0x8000004E;
	(pc) =	sbr.rel @!p0 .LBB2_5-.Ltmp1, $4  }
0x12: {  	_ =	swait.ge [sflag:s10], $0x8000  }
0x13: {  	[sflag:s10] =	ssyncset.done $0x0  }
0x14: {  	[sflag:s10] =	ssyncadd.s32 $0xFFFF8000  }
0x15: {  	_ =	strace $0x9000004E  }
.LBB2_1:
0x16: {  	_ =	strace $0x80000048  }
0x17: {  	p0 =	por $0x1, $0x1;
	p2 =	por $0x0, $0x0;
	s13 =	simm.s32 $0x0  }
0x18: {  	s12 =	simm.s32 $0x0;
	s17 =	simm.s32 $0x0;
	s14 =	simm.s32 $0x0  }
0x19: {  	[tilespmem:s4], [sflag:$0x1] =	stream.linear.gather [hbm4b:s7+s4], $0x80, $0x200038;
	[tilespmem:$0x10100] =	vst v63  }
0x1a: {  	s15 =	simm.s32 $0x1;
	s16 =	simm.s32 $0x0;
	_ =	strace $0x90000048  }
.LBB2_2:
0x1b: {  	s18 =	smov.u32 s13;
	s13 =	sadd.s32 $0x1, s13  }
0x1c: {  	p1 =	seq.s32 s13, $0x2  }
0x1d: {  	s13 =	simm.s32 @p1 $0x0  }
0x1e: {  	p1 =	sne.s32 s18, s13  }
0x1f: {  	p1 =	por !p0, !p1  }
0x20: {  	p1 =	por !p1, !p1  }
0x21: {  	s19 =	sadd.s32 @p1 s6, s13  }
0x22: {  	s20 =	sand.u32 @p1 $0x1, s15;
	s19 =	sshll.u32 @p1 s19, $0x4  }
0x23: {  	_ =	strace @p1 $0x80000049;
	s22 =	simm.s32 @p1 $0x0;
	s19 =	sand.u32 @p1 $0x1FFFFFF0, s19  }
0x24: {  	s21 =	sshll.u32 @p1 s20, $0x7;
	s20 =	sadd.s32 @p1 $0x1, s20;
	s19 =	sadd.s32 @p1 s5, s19  }
0x25: {  	[tilespmem:s21], [sflag:s20] =	stream.linear.gather @p1 [hbm4b:s19+s22], $0x80, $0x200038;
	[tilespmem:$0x10100] =	vst v63  }
0x26: {  	s23 =	sand.u32 $0x1, s14;
	_ =	strace @p1 $0x90000049  }
0x27: {  	s19 =	sadd.s32 $0x1, s23;
	_ =	strace $0x8000004A  }
0x28: {  	_ =	swait.ge [sflag:s19], $0x80  }
0x29: {  	[sflag:s19] =	ssyncset.done $0x0  }
0x2a: {  	[sflag:s19] =	ssyncadd.s32 $0xFFFFFF80  }
0x2b: {  	s24 =	sshll.u32 s14, $0x7;
	_ =	strace $0x9000004A  }
0x2c: {  	s22 =	sand.u32 $0x80, s24;
	_ =	strace $0x8000004B  }
0x2d: {  	v3 =	vld [tilespmem:s22+$0x0];
	_ =	sdelay $0x4  }
0x2e: {  	v4 =	vshll.u32 v3, $0x1  }
0x2f: {  	v3 =	vand.u32 $0x7, v3;
	v4 =	vand.u32 $0xFFFFFFF0, v4  }
0x30: {  	v3 =	vor.u32 v3, v4  }
0x31: {  	v4 =	vperm.xlane v3, v0;
	_ =	sdelay $0x1  }
0x32: {  	v3 =	vperm.xlane v3, v2;
	v4 =	vadd.s32 v1, v4;
	_ =	sdelay $0x1  }
0x33: {  	s19 =	sand.u32 $0x1, s17;
	v3 =	vadd.s32 v1, v3  }
0x34: {  	s21 =	sshll.u32 s19, $0xF  }
0x35: {  	s20 =	sor.u32 $0x100, s21  }
0x36: {  	[tilespmem:s20], [sflag:$0x5] =	stream.indirect_vreg.gather [hbm4b:s1+s4], $0x80, v4, vm0, $0x2000b8;
	[tilespmem:$0x10100] =	vst v63  }
0x37: {  	s23 =	sor.u32 $0x900, s21  }
0x38: {  	[tilespmem:s23], [sflag:$0x5] =	stream.indirect_vreg.gather [hbm4b:s1+s4], $0x80, v3, vm0, $0x2000b8;
	[tilespmem:$0x10100] =	vst v63  }
0x39: {  	v3 =	vld [tilespmem:s22+$0x10];
	_ =	sdelay $0x4  }
0x3a: {  	v57 =	vshll.u32 v3, $0x1  }
0x3b: {  	v3 =	vand.u32 $0x7, v3;
	v4 =	vand.u32 $0xFFFFFFF0, v57  }
0x3c: {  	v3 =	vor.u32 v3, v4  }
0x3d: {  	v4 =	vperm.xlane v3, v0;
	_ =	sdelay $0x1  }
0x3e: {  	v3 =	vperm.xlane v3, v2;
	v4 =	vadd.s32 v1, v4;
	_ =	sdelay $0x1  }
0x3f: {  	v3 =	vadd.s32 v1, v3;
	_ =	sdelay $0x1  }
0x40: {  	s25 =	sor.u32 $0x1100, s21  }
0x41: {  	[tilespmem:s25], [sflag:$0x5] =	stream.indirect_vreg.gather [hbm4b:s1+s4], $0x80, v4, vm0, $0x2000b8;
	[tilespmem:$0x10100] =	vst v63  }
0x42: {  	s26 =	sor.u32 $0x1900, s21  }
0x43: {  	[tilespmem:s26], [sflag:$0x5] =	stream.indirect_vreg.gather [hbm4b:s1+s4], $0x80, v3, vm0, $0x2000b8;
	[tilespmem:$0x10100] =	vst v63  }
0x44: {  	v3 =	vld [tilespmem:s22+$0x20];
	_ =	sdelay $0x4  }
0x45: {  	v58 =	vshll.u32 v3, $0x1  }
0x46: {  	v3 =	vand.u32 $0x7, v3;
	v4 =	vand.u32 $0xFFFFFFF0, v58  }
0x47: {  	v3 =	vor.u32 v3, v4  }
0x48: {  	v4 =	vperm.xlane v3, v0;
	_ =	sdelay $0x1  }
0x49: {  	v3 =	vperm.xlane v3, v2;
	v4 =	vadd.s32 v1, v4;
	_ =	sdelay $0x1  }
0x4a: {  	v3 =	vadd.s32 v1, v3;
	_ =	sdelay $0x1  }
0x4b: {  	s28 =	sor.u32 $0x2100, s21  }
0x4c: {  	[tilespmem:s28], [sflag:$0x5] =	stream.indirect_vreg.gather [hbm4b:s1+s4], $0x80, v4, vm0, $0x2000b8;
	[tilespmem:$0x10100] =	vst v63  }
0x4d: {  	s29 =	sor.u32 $0x2900, s21  }
0x4e: {  	[tilespmem:s29], [sflag:$0x5] =	stream.indirect_vreg.gather [hbm4b:s1+s4], $0x80, v3, vm0, $0x2000b8;
	[tilespmem:$0x10100] =	vst v63  }
0x4f: {  	v3 =	vld [tilespmem:s22+$0x30];
	_ =	sdelay $0x4  }
0x50: {  	v59 =	vshll.u32 v3, $0x1  }
0x51: {  	v3 =	vand.u32 $0x7, v3;
	v4 =	vand.u32 $0xFFFFFFF0, v59  }
0x52: {  	v3 =	vor.u32 v3, v4  }
0x53: {  	v4 =	vperm.xlane v3, v0;
	_ =	sdelay $0x1  }
0x54: {  	v3 =	vperm.xlane v3, v2;
	v4 =	vadd.s32 v1, v4;
	_ =	sdelay $0x1  }
0x55: {  	v3 =	vadd.s32 v1, v3;
	_ =	sdelay $0x1  }
0x56: {  	s30 =	sor.u32 $0x3100, s21  }
0x57: {  	[tilespmem:s30], [sflag:$0x5] =	stream.indirect_vreg.gather [hbm4b:s1+s4], $0x80, v4, vm0, $0x2000b8;
	[tilespmem:$0x10100] =	vst v63  }
0x58: {  	s31 =	sor.u32 $0x3900, s21  }
0x59: {  	[tilespmem:s31], [sflag:$0x5] =	stream.indirect_vreg.gather [hbm4b:s1+s4], $0x80, v3, vm0, $0x2000b8;
	[tilespmem:$0x10100] =	vst v63  }
0x5a: {  	v3 =	vld [tilespmem:s22+$0x40];
	_ =	sdelay $0x4  }
0x5b: {  	v60 =	vshll.u32 v3, $0x1  }
0x5c: {  	v3 =	vand.u32 $0x7, v3;
	v4 =	vand.u32 $0xFFFFFFF0, v60  }
0x5d: {  	v3 =	vor.u32 v3, v4  }
0x5e: {  	v4 =	vperm.xlane v3, v0;
	_ =	sdelay $0x1  }
0x5f: {  	v3 =	vperm.xlane v3, v2;
	v4 =	vadd.s32 v1, v4;
	_ =	sdelay $0x1  }
0x60: {  	v3 =	vadd.s32 v1, v3;
	_ =	sdelay $0x1  }
0x61: {  	s24 =	sor.u32 $0x4100, s21  }
0x62: {  	[tilespmem:s24], [sflag:$0x5] =	stream.indirect_vreg.gather [hbm4b:s1+s4], $0x80, v4, vm0, $0x2000b8;
	[tilespmem:$0x10100] =	vst v63  }
0x63: {  	s25 =	sor.u32 $0x4900, s21  }
0x64: {  	[tilespmem:s25], [sflag:$0x5] =	stream.indirect_vreg.gather [hbm4b:s1+s4], $0x80, v3, vm0, $0x2000b8;
	[tilespmem:$0x10100] =	vst v63  }
0x65: {  	v3 =	vld [tilespmem:s22+$0x50];
	_ =	sdelay $0x4  }
0x66: {  	v61 =	vshll.u32 v3, $0x1  }
0x67: {  	v3 =	vand.u32 $0x7, v3;
	v4 =	vand.u32 $0xFFFFFFF0, v61  }
0x68: {  	v3 =	vor.u32 v3, v4  }
0x69: {  	v4 =	vperm.xlane v3, v0;
	_ =	sdelay $0x1  }
0x6a: {  	v3 =	vperm.xlane v3, v2;
	v4 =	vadd.s32 v1, v4;
	_ =	sdelay $0x1  }
0x6b: {  	v3 =	vadd.s32 v1, v3;
	_ =	sdelay $0x1  }
0x6c: {  	s26 =	sor.u32 $0x5100, s21  }
0x6d: {  	[tilespmem:s26], [sflag:$0x5] =	stream.indirect_vreg.gather [hbm4b:s1+s4], $0x80, v4, vm0, $0x2000b8;
	[tilespmem:$0x10100] =	vst v63  }
0x6e: {  	s28 =	sor.u32 $0x5900, s21  }
0x6f: {  	[tilespmem:s28], [sflag:$0x5] =	stream.indirect_vreg.gather [hbm4b:s1+s4], $0x80, v3, vm0, $0x2000b8;
	[tilespmem:$0x10100] =	vst v63  }
0x70: {  	v3 =	vld [tilespmem:s22+$0x60];
	_ =	sdelay $0x4  }
0x71: {  	v62 =	vshll.u32 v3, $0x1  }
0x72: {  	v3 =	vand.u32 $0x7, v3;
	v4 =	vand.u32 $0xFFFFFFF0, v62  }
0x73: {  	v3 =	vor.u32 v3, v4  }
0x74: {  	v4 =	vperm.xlane v3, v0;
	_ =	sdelay $0x1  }
0x75: {  	v3 =	vperm.xlane v3, v2;
	v4 =	vadd.s32 v1, v4;
	_ =	sdelay $0x1  }
0x76: {  	v3 =	vadd.s32 v1, v3;
	_ =	sdelay $0x1  }
0x77: {  	s29 =	sor.u32 $0x6100, s21  }
0x78: {  	[tilespmem:s29], [sflag:$0x5] =	stream.indirect_vreg.gather [hbm4b:s1+s4], $0x80, v4, vm0, $0x2000b8;
	[tilespmem:$0x10100] =	vst v63  }
0x79: {  	s30 =	sor.u32 $0x6900, s21  }
0x7a: {  	[tilespmem:s30], [sflag:$0x5] =	stream.indirect_vreg.gather [hbm4b:s1+s4], $0x80, v3, vm0, $0x2000b8;
	[tilespmem:$0x10100] =	vst v63  }
0x7b: {  	v3 =	vld [tilespmem:s22+$0x70];
	_ =	sdelay $0x4  }
0x7c: {  	v63 =	vshll.u32 v3, $0x1  }
0x7d: {  	v3 =	vand.u32 $0x7, v3;
	v4 =	vand.u32 $0xFFFFFFF0, v63  }
0x7e: {  	v3 =	vor.u32 v3, v4  }
0x7f: {  	v4 =	vperm.xlane v3, v0;
	_ =	sdelay $0x1  }
0x80: {  	v3 =	vperm.xlane v3, v2;
	v4 =	vadd.s32 v1, v4;
	_ =	sdelay $0x1  }
0x81: {  	v3 =	vadd.s32 v1, v3;
	_ =	sdelay $0x1  }
0x82: {  	p2 =	por !p2, !p2;
	p3 =	seq.s32 s18, s13;
	s31 =	sor.u32 $0x7100, s21  }
0x83: {  	[tilespmem:s31], [sflag:$0x5] =	stream.indirect_vreg.gather [hbm4b:s1+s4], $0x80, v4, vm0, $0x2000b8;
	[tilespmem:$0x10100] =	vst v63  }
0x84: {  	p2 =	por !p2, !p3;
	s21 =	sor.u32 $0x7900, s21  }
0x85: {  	[tilespmem:s21], [sflag:$0x5] =	stream.indirect_vreg.gather [hbm4b:s1+s4], $0x80, v3, vm0, $0x2000b8;
	[tilespmem:$0x10100] =	vst v63  }
0x86: {  	s18 =	sadd.s32 s6, s18;
	p2 =	por !p2, !p2;
	_ =	swait.ge [sflag:s9], $0x8000  }
0x87: {  	s18 =	sshll.u32 @!p2 s18, $0xC;
	p0 =	por p2, p0;
	[sflag:s9] =	ssyncset.done $0x0  }
.Ltmp2:
0x88: {  	s18 =	sand.u32 @!p2 $0x1FFFF000, s18;
	[sflag:s9] =	ssyncadd.s32 $0xFFFF8000;
	(pc) =	sbr.rel @!p0 .LBB2_4-.Ltmp2, $4  }
0x89: {  	s18 =	sadd.s32 @!p2 s2, s18;
	_ =	strace $0x9000004B  }
0x8a: {  	s19 =	sadd.s32 @!p2 $0x3, s19;
	s21 =	simm.s32 @!p2 $0x0;
	_ =	strace @!p2 $0x8000004C  }
0x8b: {  	[hbm4b:s18+s21] =	stream.linear.scatter @!p2 [tilespmem:s20], [sflag:s19], $0x8000, $0x200038;
	[tilespmem:$0x10100] =	vst v63  }
0x8c: {  	_ =	strace @!p2 $0x9000004C  }
.Ltmp3:
0x8d: {  	s18 =	simm.s32 $0x1;
	(pc) =	sbr.rel .LBB2_2-.Ltmp3, $4  }
0x8e: {  	s19 =	simm.s32 @!p2 $0x1;
	s12 =	sadd.s32 s16, s12;
	s18 =	simm.s32 @!p1 $0x0  }
0x8f: {  	s16 =	simm.s32 $0x1;
	s15 =	sadd.s32 s18, s15;
	s18 =	sadd.s32 @!p2 $0x1, s17  }
0x90: {  	p0 =	por $0x0, $0x0;
	s19 =	simm.s32 @p2 $0x0;
	s18 =	smov.u32 @p2 s17  }
0x91: {  	s14 =	sadd.s32 s14, s19;
	p2 =	por $0x1, $0x1;
	s17 =	smov.u32 s18  }
.LBB2_5:
0x92: {  	_ =	sfence.sel $0x180000  }
0x93: {  	[bflag:$0x0] =	sbarrier.arrive $0xFFFF  }
0x94: {  	p0 =	sne.s32 s3, $0x0;
	_ =	strace $0x90000047  }
0x95: {  	s0 =	sadd.s32 @!p0 $0x100000, s0;
	[bflag:$0x2] =	sbarrier.arrive $0xFFFF  }
0x96: {  	[sflag:s0] =	ssyncadd.tile.s32 @!p0 $0x1;
	_ =	shalt  }
.Lfunc_end2:
_tile_overlayer_lowered:
.L_overlay_start_2:
0x97: {  	(tag) =	ssettag $0x2  }
0x98: {  	s0 =	rddreg [dreg:$0x0];
	s2 =	stileid.u32  }
0x99: {  	s1 =	rddreg [dreg:$0x1];
	p0 =	sne.s32 s2, $0x0  }
0x9a: {  	s3 =	rddreg [dreg:$0x2];
	[bflag:$0x3] =	sbarrier.arrive $0xFFFF;
	s2 =	simm.s32 @!p0 $0x1C01  }
0x9b: {  	[timem:s3], [sflag:s2] =	dma.local @!p0 [hbm:s0], s1  }
0x9c: {  	s0 =	simm.s32 @!p0 $0x1  }
0x9d: {  	_ =	swait.ge @!p0 [sflag:s0], s1  }
0x9e: {  	s1 =	ssub.s32 @!p0 $0x0, s1;
	[sflag:s0] =	ssyncset.done @!p0 $0x0  }
0x9f: {  	[sflag:s0] =	ssyncadd.s32 @!p0 s1  }
0xa0: {  	[bflag:$0x3] =	sbarrier.arrive $0xFFFF  }
0xa1: {  	_ =	shalt  }

</sc_bundles>
